<compile_context>
chip_gen: v7x
topology: tpu7x:2x2x1
jax: 0.10.2.dev20260603
libtpu: 0.0.44.dev20260713+nightly
codegen_flags: <defaults>
</compile_context>

<pallas_src>
import functools

import jax
import jax.numpy as jnp
from jax import lax
from jax.experimental import pallas as pl
from jax.experimental.pallas import tpu as pltpu
from jax.experimental.pallas import tpu_sc as plsc

NQ = 1024
NS = 100000
DF = 512
K = 32
SB = 2048
NB = 49
NSP = NB * SB
CH = 128
NCH = NSP // CH
NCAND = K * CH
QB = 128
BIG = 1e30
IBIG = 1 << 30


def _dist_body(q_ref, s_ref, q2_ref, s2_ref, d2_ref, cmin_ref):
    j = pl.program_id(0)
    q = q_ref[...]
    s = s_ref[...]
    prod = lax.dot_general(q, s, (((1,), (1,)), ((), ())),
                           preferred_element_type=jnp.float32)
    d2 = q2_ref[...] + s2_ref[0] - 2.0 * prod
    col = j * SB + lax.broadcasted_iota(jnp.int32, (NQ, SB), 1)
    d2 = jnp.where(col >= NS, BIG, d2)
    for c in range(SB // CH):
        d2_ref[:, c * 8:(c + 1) * 8, :] = (
            d2[:, c * CH:(c + 1) * CH].reshape(NQ // 8, 8, CH))
    cmin_ref[0] = jnp.min(d2.reshape(NQ, SB // CH, CH), axis=2)


def _chunk_topk_body(cmin_ref, ids_ref):
    x = cmin_ref[...]
    col = lax.broadcasted_iota(jnp.int32, x.shape, 1)
    sels = []
    for _ in range(K):
        m = jnp.min(x, axis=1, keepdims=True)
        sel = jnp.min(jnp.where(x == m, col, IBIG), axis=1, keepdims=True)
        sels.append(sel)
        x = jnp.where(col == sel, jnp.float32(jnp.inf), x)
    ids = jnp.concatenate(sels, axis=1)
    row = lax.broadcasted_iota(jnp.int32, (NQ, K), 0)
    ids_ref[...] = (row // 8) * (NCH * 8) + ids * 8 + row % 8


def _final_body(g_ref, ids_ref, idx_ref, w_ref):
    qb = pl.program_id(0)
    vals = g_ref[...]
    flat = ids_ref[...]
    chunk = (flat % (NCH * 8)) // 8
    lane = lax.broadcasted_iota(jnp.int32, (QB, K, CH), 2)
    cand = (chunk[:, :, None] * CH + lane).reshape(QB, NCAND)
    dist = jnp.sqrt(jnp.maximum(vals, 0.0))
    idxs, dists = [], []
    for _ in range(K):
        m = jnp.min(dist, axis=1, keepdims=True)
        sel = jnp.min(jnp.where(dist == m, cand, IBIG), axis=1, keepdims=True)
        idxs.append(sel)
        dists.append(m)
        dist = jnp.where(cand == sel, jnp.float32(jnp.inf), dist)
    top_i = jnp.concatenate(idxs, axis=1)
    top_d = jnp.concatenate(dists, axis=1)
    sim = 1.0 / (top_d + 1e-6)
    w_ref[...] = sim / jnp.sum(sim, axis=1, keepdims=True)
    idx_ref[...] = top_i


def _make_sc_gather():
    info = plsc.get_sparse_core_info()
    nc, ns = info.num_cores, info.num_subcores
    nw = nc * ns
    total = NQ * K
    per_w = total // nw
    step = 128
    mesh = plsc.VectorSubcoreMesh(core_axis_name="c", subcore_axis_name="s")

    @functools.partial(
        pl.kernel, mesh=mesh,
        out_type=jax.ShapeDtypeStruct((total, CH), jnp.float32),
        scratch_types=[
            pltpu.VMEM((step,), jnp.int32),
            pltpu.VMEM((step, CH), jnp.float32),
            pltpu.SemaphoreType.DMA,
        ],
    )
    def gather(table_hbm, idx_hbm, out_hbm, idx_v, rows_v, sem):
        wid = lax.axis_index("s") * nc + lax.axis_index("c")
        base = wid * per_w
        for g in range(per_w // step):
            off = base + g * step
            pltpu.sync_copy(idx_hbm.at[pl.ds(off, step)], idx_v)
            pltpu.async_copy(table_hbm.at[idx_v], rows_v, sem).wait()
            pltpu.sync_copy(rows_v, out_hbm.at[pl.ds(off, step)])

    return gather


_sc_gather = None


def kernel(query, support):
    q = query.reshape(query.shape[0], -1)
    s = support.reshape(support.shape[0], -1)
    assert q.shape == (NQ, DF) and s.shape == (NS, DF)
    q2 = jnp.sum(q * q, axis=1, keepdims=True)
    s2 = jnp.pad(jnp.sum(support * support, axis=(1, 2)),
                 (0, NSP - NS)).reshape(NB, 1, SB)

    d2, cmin = pl.pallas_call(
        _dist_body,
        grid=(NB,),
        in_specs=[
            pl.BlockSpec((NQ, DF), lambda j: (0, 0)),
            pl.BlockSpec((SB, DF), lambda j: (j, 0)),
            pl.BlockSpec((NQ, 1), lambda j: (0, 0)),
            pl.BlockSpec((1, 1, SB), lambda j: (j, 0, 0)),
        ],
        out_specs=[
            pl.BlockSpec((NQ // 8, SB // CH * 8, CH), lambda j: (0, j, 0)),
            pl.BlockSpec((1, NQ, SB // CH), lambda j: (j, 0, 0)),
        ],
        out_shape=[
            jax.ShapeDtypeStruct((NQ // 8, NCH * 8, CH), jnp.float32),
            jax.ShapeDtypeStruct((NB, NQ, SB // CH), jnp.float32),
        ],
        compiler_params=pltpu.CompilerParams(
            dimension_semantics=("arbitrary",),
        ),
    )(q, s, q2, s2)

    cmin = jnp.transpose(cmin, (1, 0, 2)).reshape(NQ, NCH)

    flat_ids = pl.pallas_call(
        _chunk_topk_body,
        in_specs=[pl.BlockSpec((NQ, NCH), lambda: (0, 0))],
        out_specs=pl.BlockSpec((NQ, K), lambda: (0, 0)),
        out_shape=jax.ShapeDtypeStruct((NQ, K), jnp.int32),
    )(cmin)

    global _sc_gather
    if _sc_gather is None:
        _sc_gather = _make_sc_gather()
    table = d2.reshape(NQ * NCH, CH)
    gathered = _sc_gather(table, flat_ids.reshape(NQ * K))

    indices, weights = pl.pallas_call(
        _final_body,
        grid=(NQ // QB,),
        in_specs=[
            pl.BlockSpec((QB, NCAND), lambda i: (i, 0)),
            pl.BlockSpec((QB, K), lambda i: (i, 0)),
        ],
        out_specs=[
            pl.BlockSpec((QB, K), lambda i: (i, 0)),
            pl.BlockSpec((QB, K), lambda i: (i, 0)),
        ],
        out_shape=[
            jax.ShapeDtypeStruct((NQ, K), jnp.int32),
            jax.ShapeDtypeStruct((NQ, K), jnp.float32),
        ],
        compiler_params=pltpu.CompilerParams(
            dimension_semantics=("arbitrary",),
        ),
    )(gathered.reshape(NQ, NCAND), flat_ids)

    return indices, weights

# --- scband reference (transcript-rebuilt; emitter-appended) ---
"""Pipeline reference for scband-knnretrieval-53094385713848 (READ-ONLY COPY).

The authoritative reference and input builder live on the scoring server;
editing this copy changes nothing except your own understanding.
"""

import jax, jax.numpy as jnp
import numpy as np

K = 32

def setup_inputs(seed: int = 0) -> dict:
    key = jax.random.key(seed)
    k1, k2 = jax.random.split(key)
    query = jax.random.normal(k1, (1024, 128, 4), dtype=jnp.float32)
    support = jax.random.normal(k2, (100000, 128, 4), dtype=jnp.float32)
    return {"query": query, "support": support}

def reference(query, support):
    # flatten (N, D, H) -> (N, D*H), matching query.reshape(N, -1)
    q = query.reshape(query.shape[0], -1)
    s = support.reshape(support.shape[0], -1)
    # exact euclidean distances via ||q||^2 + ||s||^2 - 2 q.s
    q2 = jnp.sum(q * q, axis=1, keepdims=True)          # (N_q, 1)
    s2 = jnp.sum(s * s, axis=1)                          # (N_s,)
    d2 = q2 + s2[None, :] - 2.0 * (q @ s.T)              # (N_q, N_s)
    d2 = jnp.maximum(d2, 0.0)
    dist = jnp.sqrt(d2)
    # k nearest neighbors == top-k of negative distance (sorted ascending by distance,
    # matching sklearn NearestNeighbors.kneighbors output ordering)
    neg_top, indices = jax.lax.top_k(-dist, K)           # (N_q, K) each
    distances = -neg_top
    similarities = 1.0 / (distances + 1e-06)
    weights = similarities / jnp.sum(similarities, axis=1, keepdims=True)
    return indices, weights.astype(jnp.float32)

if __name__ == "__main__":
    import jax
    _d = setup_inputs()
    print(jax.jit(kernel)(*tuple(_d.values())))

</pallas_src>

<mosaic_0001>
#map = affine_map<(d0, d1) -> (0, 0)>
#map1 = affine_map<(d0, d1) -> (0)>
module attributes {stable_mosaic.version = 14 : i64} {
  func.func @gather(%arg0: i32, %arg1: i32, %arg2: memref<802816x128xf32, #tpu.memory_space<hbm>>, %arg3: memref<32768xi32, #tpu.memory_space<hbm>>, %arg4: memref<32768x128xf32, #tpu.memory_space<hbm>>, %arg5: memref<128xi32, #tpu.memory_space<vmem>>, %arg6: memref<128x128xf32, #tpu.memory_space<vmem>>, %arg7: memref<!tpu.dma_semaphore, #tpu.memory_space<semaphore_mem>>) attributes {dimension_semantics = [#tpu.dimension_semantics<core_parallel>, #tpu.dimension_semantics<subcore_parallel>], iteration_bounds = array<i64: 2, 16>, scalar_prefetch = 0 : i64, scratch_operands = 3 : i64, tpu.core_type = #tpu.core_type<sc_vector_subcore>, window_params = [{transform_indices = #map}, {transform_indices = #map1}, {transform_indices = #map}]} {
    %mul3A = arith.constant 2 : i32
    %mul3A_0 = arith.muli %arg1, %mul3A : i32
    %add3A = arith.addi %mul3A_0, %arg0 : i32
    %mul3A_1 = arith.constant 1024 : i32
    %mul3A_2 = arith.muli %add3A, %mul3A_1 : i32
    %add3A_3 = arith.constant 0 : i32
    %add3A_4 = arith.addi %mul3A_2, %add3A_3 : i32
    "tpu.region"() ({
      %run_scoped3A = tpu.sem_alloc : memref<!tpu.dma_semaphore, #tpu.memory_space<semaphore_mem>>
      %dma_start3A_65 = tpu.memref_slice %arg3[%add3A_4] : memref<32768xi32, #tpu.memory_space<hbm>> -> memref<128xi32, #tpu.memory_space<hbm>>
      %dma_start3A_66 = tpu.memref_slice %arg3[%add3A_4] : memref<32768xi32, #tpu.memory_space<hbm>> -> memref<128xi32, #tpu.memory_space<hbm>>
      tpu.enqueue_dma source(%dma_start3A_66 : memref<128xi32, #tpu.memory_space<hbm>>) target(%arg5 : memref<128xi32, #tpu.memory_space<vmem>>) target_semaphore(%run_scoped3A : memref<!tpu.dma_semaphore, #tpu.memory_space<semaphore_mem>>)
      %dma_wait3A_67 = tpu.memref_slice %arg3[%add3A_4] : memref<32768xi32, #tpu.memory_space<hbm>> -> memref<128xi32, #tpu.memory_space<hbm>>
      %dma_wait3A_68 = tpu.memref_slice %arg3[%add3A_4] : memref<32768xi32, #tpu.memory_space<hbm>> -> memref<128xi32, #tpu.memory_space<hbm>>
      tpu.wait_dma2 semaphore(%run_scoped3A : memref<!tpu.dma_semaphore, #tpu.memory_space<semaphore_mem>>) src(%dma_wait3A_68 : memref<128xi32, #tpu.memory_space<hbm>>) dst(%arg5 : memref<128xi32, #tpu.memory_space<vmem>>)
      tpu.yield
    }) : () -> ()
    %dma_start3A = arith.constant 0 : i32
    %dma_start3A_5 = arith.constant 0 : i32
    %dma_start3A_6 = tpu.memref_slice %arg2[%dma_start3A, %dma_start3A_5] : memref<802816x128xf32, #tpu.memory_space<hbm>> -> memref<802816x128xf32, #tpu.memory_space<hbm>>
    tpu.enqueue_indirect_dma source(%dma_start3A_6 : memref<802816x128xf32, #tpu.memory_space<hbm>>) target(%arg6 : memref<128x128xf32, #tpu.memory_space<vmem>>) offsets(%arg5 : memref<128xi32, #tpu.memory_space<vmem>>) semaphore(%arg7 : memref<!tpu.dma_semaphore, #tpu.memory_space<semaphore_mem>>)
    %dma_wait3A = arith.constant 0 : i32
    %dma_wait3A_7 = arith.constant 0 : i32
    %dma_wait3A_8 = tpu.memref_slice %arg2[%dma_wait3A, %dma_wait3A_7] : memref<802816x128xf32, #tpu.memory_space<hbm>> -> memref<802816x128xf32, #tpu.memory_space<hbm>>
    tpu.wait_indirect_dma semaphore(%arg7 : memref<!tpu.dma_semaphore, #tpu.memory_space<semaphore_mem>>) src(%dma_wait3A_8 : memref<802816x128xf32, #tpu.memory_space<hbm>>) dst(%arg6 : memref<128x128xf32, #tpu.memory_space<vmem>>)
    "tpu.region"() ({
      %run_scoped3A = tpu.sem_alloc : memref<!tpu.dma_semaphore, #tpu.memory_space<semaphore_mem>>
      %dma_start3A_65 = arith.constant 0 : i32
      %dma_start3A_66 = tpu.memref_slice %arg4[%add3A_4, %dma_start3A_65] : memref<32768x128xf32, #tpu.memory_space<hbm>> -> memref<128x128xf32, #tpu.memory_space<hbm>>
      %dma_start3A_67 = arith.constant 0 : i32
      %dma_start3A_68 = tpu.memref_slice %arg4[%add3A_4, %dma_start3A_67] : memref<32768x128xf32, #tpu.memory_space<hbm>> -> memref<128x128xf32, #tpu.memory_space<hbm>>
      tpu.enqueue_dma source(%arg6 : memref<128x128xf32, #tpu.memory_space<vmem>>) target(%dma_start3A_68 : memref<128x128xf32, #tpu.memory_space<hbm>>) target_semaphore(%run_scoped3A : memref<!tpu.dma_semaphore, #tpu.memory_space<semaphore_mem>>)
      %dma_wait3A_69 = arith.constant 0 : i32
      %dma_wait3A_70 = tpu.memref_slice %arg4[%add3A_4, %dma_wait3A_69] : memref<32768x128xf32, #tpu.memory_space<hbm>> -> memref<128x128xf32, #tpu.memory_space<hbm>>
      %dma_wait3A_71 = arith.constant 0 : i32
      %dma_wait3A_72 = tpu.memref_slice %arg4[%add3A_4, %dma_wait3A_71] : memref<32768x128xf32, #tpu.memory_space<hbm>> -> memref<128x128xf32, #tpu.memory_space<hbm>>
      tpu.wait_dma2 semaphore(%run_scoped3A : memref<!tpu.dma_semaphore, #tpu.memory_space<semaphore_mem>>) src(%arg6 : memref<128x128xf32, #tpu.memory_space<vmem>>) dst(%dma_wait3A_72 : memref<128x128xf32, #tpu.memory_space<hbm>>)
      tpu.yield
    }) : () -> ()
    %add3A_9 = arith.constant 128 : i32
    %add3A_10 = arith.addi %mul3A_2, %add3A_9 : i32
    "tpu.region"() ({
      %run_scoped3A = tpu.sem_alloc : memref<!tpu.dma_semaphore, #tpu.memory_space<semaphore_mem>>
      %dma_start3A_65 = tpu.memref_slice %arg3[%add3A_10] : memref<32768xi32, #tpu.memory_space<hbm>> -> memref<128xi32, #tpu.memory_space<hbm>>
      %dma_start3A_66 = tpu.memref_slice %arg3[%add3A_10] : memref<32768xi32, #tpu.memory_space<hbm>> -> memref<128xi32, #tpu.memory_space<hbm>>
      tpu.enqueue_dma source(%dma_start3A_66 : memref<128xi32, #tpu.memory_space<hbm>>) target(%arg5 : memref<128xi32, #tpu.memory_space<vmem>>) target_semaphore(%run_scoped3A : memref<!tpu.dma_semaphore, #tpu.memory_space<semaphore_mem>>)
      %dma_wait3A_67 = tpu.memref_slice %arg3[%add3A_10] : memref<32768xi32, #tpu.memory_space<hbm>> -> memref<128xi32, #tpu.memory_space<hbm>>
      %dma_wait3A_68 = tpu.memref_slice %arg3[%add3A_10] : memref<32768xi32, #tpu.memory_space<hbm>> -> memref<128xi32, #tpu.memory_space<hbm>>
      tpu.wait_dma2 semaphore(%run_scoped3A : memref<!tpu.dma_semaphore, #tpu.memory_space<semaphore_mem>>) src(%dma_wait3A_68 : memref<128xi32, #tpu.memory_space<hbm>>) dst(%arg5 : memref<128xi32, #tpu.memory_space<vmem>>)
      tpu.yield
    }) : () -> ()
    %dma_start3A_11 = arith.constant 0 : i32
    %dma_start3A_12 = arith.constant 0 : i32
    %dma_start3A_13 = tpu.memref_slice %arg2[%dma_start3A_11, %dma_start3A_12] : memref<802816x128xf32, #tpu.memory_space<hbm>> -> memref<802816x128xf32, #tpu.memory_space<hbm>>
    tpu.enqueue_indirect_dma source(%dma_start3A_13 : memref<802816x128xf32, #tpu.memory_space<hbm>>) target(%arg6 : memref<128x128xf32, #tpu.memory_space<vmem>>) offsets(%arg5 : memref<128xi32, #tpu.memory_space<vmem>>) semaphore(%arg7 : memref<!tpu.dma_semaphore, #tpu.memory_space<semaphore_mem>>)
    %dma_wait3A_14 = arith.constant 0 : i32
    %dma_wait3A_15 = arith.constant 0 : i32
    %dma_wait3A_16 = tpu.memref_slice %arg2[%dma_wait3A_14, %dma_wait3A_15] : memref<802816x128xf32, #tpu.memory_space<hbm>> -> memref<802816x128xf32, #tpu.memory_space<hbm>>
    tpu.wait_indirect_dma semaphore(%arg7 : memref<!tpu.dma_semaphore, #tpu.memory_space<semaphore_mem>>) src(%dma_wait3A_16 : memref<802816x128xf32, #tpu.memory_space<hbm>>) dst(%arg6 : memref<128x128xf32, #tpu.memory_space<vmem>>)
    "tpu.region"() ({
      %run_scoped3A = tpu.sem_alloc : memref<!tpu.dma_semaphore, #tpu.memory_space<semaphore_mem>>
      %dma_start3A_65 = arith.constant 0 : i32
      %dma_start3A_66 = tpu.memref_slice %arg4[%add3A_10, %dma_start3A_65] : memref<32768x128xf32, #tpu.memory_space<hbm>> -> memref<128x128xf32, #tpu.memory_space<hbm>>
      %dma_start3A_67 = arith.constant 0 : i32
      %dma_start3A_68 = tpu.memref_slice %arg4[%add3A_10, %dma_start3A_67] : memref<32768x128xf32, #tpu.memory_space<hbm>> -> memref<128x128xf32, #tpu.memory_space<hbm>>
      tpu.enqueue_dma source(%arg6 : memref<128x128xf32, #tpu.memory_space<vmem>>) target(%dma_start3A_68 : memref<128x128xf32, #tpu.memory_space<hbm>>) target_semaphore(%run_scoped3A : memref<!tpu.dma_semaphore, #tpu.memory_space<semaphore_mem>>)
      %dma_wait3A_69 = arith.constant 0 : i32
      %dma_wait3A_70 = tpu.memref_slice %arg4[%add3A_10, %dma_wait3A_69] : memref<32768x128xf32, #tpu.memory_space<hbm>> -> memref<128x128xf32, #tpu.memory_space<hbm>>
      %dma_wait3A_71 = arith.constant 0 : i32
      %dma_wait3A_72 = tpu.memref_slice %arg4[%add3A_10, %dma_wait3A_71] : memref<32768x128xf32, #tpu.memory_space<hbm>> -> memref<128x128xf32, #tpu.memory_space<hbm>>
      tpu.wait_dma2 semaphore(%run_scoped3A : memref<!tpu.dma_semaphore, #tpu.memory_space<semaphore_mem>>) src(%arg6 : memref<128x128xf32, #tpu.memory_space<vmem>>) dst(%dma_wait3A_72 : memref<128x128xf32, #tpu.memory_space<hbm>>)
      tpu.yield
    }) : () -> ()
    %add3A_17 = arith.constant 256 : i32
    %add3A_18 = arith.addi %mul3A_2, %add3A_17 : i32
    "tpu.region"() ({
      %run_scoped3A = tpu.sem_alloc : memref<!tpu.dma_semaphore, #tpu.memory_space<semaphore_mem>>
      %dma_start3A_65 = tpu.memref_slice %arg3[%add3A_18] : memref<32768xi32, #tpu.memory_space<hbm>> -> memref<128xi32, #tpu.memory_space<hbm>>
      %dma_start3A_66 = tpu.memref_slice %arg3[%add3A_18] : memref<32768xi32, #tpu.memory_space<hbm>> -> memref<128xi32, #tpu.memory_space<hbm>>
      tpu.enqueue_dma source(%dma_start3A_66 : memref<128xi32, #tpu.memory_space<hbm>>) target(%arg5 : memref<128xi32, #tpu.memory_space<vmem>>) target_semaphore(%run_scoped3A : memref<!tpu.dma_semaphore, #tpu.memory_space<semaphore_mem>>)
      %dma_wait3A_67 = tpu.memref_slice %arg3[%add3A_18] : memref<32768xi32, #tpu.memory_space<hbm>> -> memref<128xi32, #tpu.memory_space<hbm>>
      %dma_wait3A_68 = tpu.memref_slice %arg3[%add3A_18] : memref<32768xi32, #tpu.memory_space<hbm>> -> memref<128xi32, #tpu.memory_space<hbm>>
      tpu.wait_dma2 semaphore(%run_scoped3A : memref<!tpu.dma_semaphore, #tpu.memory_space<semaphore_mem>>) src(%dma_wait3A_68 : memref<128xi32, #tpu.memory_space<hbm>>) dst(%arg5 : memref<128xi32, #tpu.memory_space<vmem>>)
      tpu.yield
    }) : () -> ()
    %dma_start3A_19 = arith.constant 0 : i32
    %dma_start3A_20 = arith.constant 0 : i32
    %dma_start3A_21 = tpu.memref_slice %arg2[%dma_start3A_19, %dma_start3A_20] : memref<802816x128xf32, #tpu.memory_space<hbm>> -> memref<802816x128xf32, #tpu.memory_space<hbm>>
    tpu.enqueue_indirect_dma source(%dma_start3A_21 : memref<802816x128xf32, #tpu.memory_space<hbm>>) target(%arg6 : memref<128x128xf32, #tpu.memory_space<vmem>>) offsets(%arg5 : memref<128xi32, #tpu.memory_space<vmem>>) semaphore(%arg7 : memref<!tpu.dma_semaphore, #tpu.memory_space<semaphore_mem>>)
    %dma_wait3A_22 = arith.constant 0 : i32
    %dma_wait3A_23 = arith.constant 0 : i32
    %dma_wait3A_24 = tpu.memref_slice %arg2[%dma_wait3A_22, %dma_wait3A_23] : memref<802816x128xf32, #tpu.memory_space<hbm>> -> memref<802816x128xf32, #tpu.memory_space<hbm>>
    tpu.wait_indirect_dma semaphore(%arg7 : memref<!tpu.dma_semaphore, #tpu.memory_space<semaphore_mem>>) src(%dma_wait3A_24 : memref<802816x128xf32, #tpu.memory_space<hbm>>) dst(%arg6 : memref<128x128xf32, #tpu.memory_space<vmem>>)
    "tpu.region"() ({
      %run_scoped3A = tpu.sem_alloc : memref<!tpu.dma_semaphore, #tpu.memory_space<semaphore_mem>>
      %dma_start3A_65 = arith.constant 0 : i32
      %dma_start3A_66 = tpu.memref_slice %arg4[%add3A_18, %dma_start3A_65] : memref<32768x128xf32, #tpu.memory_space<hbm>> -> memref<128x128xf32, #tpu.memory_space<hbm>>
      %dma_start3A_67 = arith.constant 0 : i32
      %dma_start3A_68 = tpu.memref_slice %arg4[%add3A_18, %dma_start3A_67] : memref<32768x128xf32, #tpu.memory_space<hbm>> -> memref<128x128xf32, #tpu.memory_space<hbm>>
      tpu.enqueue_dma source(%arg6 : memref<128x128xf32, #tpu.memory_space<vmem>>) target(%dma_start3A_68 : memref<128x128xf32, #tpu.memory_space<hbm>>) target_semaphore(%run_scoped3A : memref<!tpu.dma_semaphore, #tpu.memory_space<semaphore_mem>>)
      %dma_wait3A_69 = arith.constant 0 : i32
      %dma_wait3A_70 = tpu.memref_slice %arg4[%add3A_18, %dma_wait3A_69] : memref<32768x128xf32, #tpu.memory_space<hbm>> -> memref<128x128xf32, #tpu.memory_space<hbm>>
      %dma_wait3A_71 = arith.constant 0 : i32
      %dma_wait3A_72 = tpu.memref_slice %arg4[%add3A_18, %dma_wait3A_71] : memref<32768x128xf32, #tpu.memory_space<hbm>> -> memref<128x128xf32, #tpu.memory_space<hbm>>
      tpu.wait_dma2 semaphore(%run_scoped3A : memref<!tpu.dma_semaphore, #tpu.memory_space<semaphore_mem>>) src(%arg6 : memref<128x128xf32, #tpu.memory_space<vmem>>) dst(%dma_wait3A_72 : memref<128x128xf32, #tpu.memory_space<hbm>>)
      tpu.yield
    }) : () -> ()
    %add3A_25 = arith.constant 384 : i32
    %add3A_26 = arith.addi %mul3A_2, %add3A_25 : i32
    "tpu.region"() ({
      %run_scoped3A = tpu.sem_alloc : memref<!tpu.dma_semaphore, #tpu.memory_space<semaphore_mem>>
      %dma_start3A_65 = tpu.memref_slice %arg3[%add3A_26] : memref<32768xi32, #tpu.memory_space<hbm>> -> memref<128xi32, #tpu.memory_space<hbm>>
      %dma_start3A_66 = tpu.memref_slice %arg3[%add3A_26] : memref<32768xi32, #tpu.memory_space<hbm>> -> memref<128xi32, #tpu.memory_space<hbm>>
      tpu.enqueue_dma source(%dma_start3A_66 : memref<128xi32, #tpu.memory_space<hbm>>) target(%arg5 : memref<128xi32, #tpu.memory_space<vmem>>) target_semaphore(%run_scoped3A : memref<!tpu.dma_semaphore, #tpu.memory_space<semaphore_mem>>)
      %dma_wait3A_67 = tpu.memref_slice %arg3[%add3A_26] : memref<32768xi32, #tpu.memory_space<hbm>> -> memref<128xi32, #tpu.memory_space<hbm>>
      %dma_wait3A_68 = tpu.memref_slice %arg3[%add3A_26] : memref<32768xi32, #tpu.memory_space<hbm>> -> memref<128xi32, #tpu.memory_space<hbm>>
      tpu.wait_dma2 semaphore(%run_scoped3A : memref<!tpu.dma_semaphore, #tpu.memory_space<semaphore_mem>>) src(%dma_wait3A_68 : memref<128xi32, #tpu.memory_space<hbm>>) dst(%arg5 : memref<128xi32, #tpu.memory_space<vmem>>)
      tpu.yield
    }) : () -> ()
    %dma_start3A_27 = arith.constant 0 : i32
    %dma_start3A_28 = arith.constant 0 : i32
    %dma_start3A_29 = tpu.memref_slice %arg2[%dma_start3A_27, %dma_start3A_28] : memref<802816x128xf32, #tpu.memory_space<hbm>> -> memref<802816x128xf32, #tpu.memory_space<hbm>>
    tpu.enqueue_indirect_dma source(%dma_start3A_29 : memref<802816x128xf32, #tpu.memory_space<hbm>>) target(%arg6 : memref<128x128xf32, #tpu.memory_space<vmem>>) offsets(%arg5 : memref<128xi32, #tpu.memory_space<vmem>>) semaphore(%arg7 : memref<!tpu.dma_semaphore, #tpu.memory_space<semaphore_mem>>)
    %dma_wait3A_30 = arith.constant 0 : i32
    %dma_wait3A_31 = arith.constant 0 : i32
    %dma_wait3A_32 = tpu.memref_slice %arg2[%dma_wait3A_30, %dma_wait3A_31] : memref<802816x128xf32, #tpu.memory_space<hbm>> -> memref<802816x128xf32, #tpu.memory_space<hbm>>
    tpu.wait_indirect_dma semaphore(%arg7 : memref<!tpu.dma_semaphore, #tpu.memory_space<semaphore_mem>>) src(%dma_wait3A_32 : memref<802816x128xf32, #tpu.memory_space<hbm>>) dst(%arg6 : memref<128x128xf32, #tpu.memory_space<vmem>>)
    "tpu.region"() ({
      %run_scoped3A = tpu.sem_alloc : memref<!tpu.dma_semaphore, #tpu.memory_space<semaphore_mem>>
      %dma_start3A_65 = arith.constant 0 : i32
      %dma_start3A_66 = tpu.memref_slice %arg4[%add3A_26, %dma_start3A_65] : memref<32768x128xf32, #tpu.memory_space<hbm>> -> memref<128x128xf32, #tpu.memory_space<hbm>>
      %dma_start3A_67 = arith.constant 0 : i32
      %dma_start3A_68 = tpu.memref_slice %arg4[%add3A_26, %dma_start3A_67] : memref<32768x128xf32, #tpu.memory_space<hbm>> -> memref<128x128xf32, #tpu.memory_space<hbm>>
      tpu.enqueue_dma source(%arg6 : memref<128x128xf32, #tpu.memory_space<vmem>>) target(%dma_start3A_68 : memref<128x128xf32, #tpu.memory_space<hbm>>) target_semaphore(%run_scoped3A : memref<!tpu.dma_semaphore, #tpu.memory_space<semaphore_mem>>)
      %dma_wait3A_69 = arith.constant 0 : i32
      %dma_wait3A_70 = tpu.memref_slice %arg4[%add3A_26, %dma_wait3A_69] : memref<32768x128xf32, #tpu.memory_space<hbm>> -> memref<128x128xf32, #tpu.memory_space<hbm>>
      %dma_wait3A_71 = arith.constant 0 : i32
      %dma_wait3A_72 = tpu.memref_slice %arg4[%add3A_26, %dma_wait3A_71] : memref<32768x128xf32, #tpu.memory_space<hbm>> -> memref<128x128xf32, #tpu.memory_space<hbm>>
      tpu.wait_dma2 semaphore(%run_scoped3A : memref<!tpu.dma_semaphore, #tpu.memory_space<semaphore_mem>>) src(%arg6 : memref<128x128xf32, #tpu.memory_space<vmem>>) dst(%dma_wait3A_72 : memref<128x128xf32, #tpu.memory_space<hbm>>)
      tpu.yield
    }) : () -> ()
    %add3A_33 = arith.constant 512 : i32
    %add3A_34 = arith.addi %mul3A_2, %add3A_33 : i32
    "tpu.region"() ({
      %run_scoped3A = tpu.sem_alloc : memref<!tpu.dma_semaphore, #tpu.memory_space<semaphore_mem>>
      %dma_start3A_65 = tpu.memref_slice %arg3[%add3A_34] : memref<32768xi32, #tpu.memory_space<hbm>> -> memref<128xi32, #tpu.memory_space<hbm>>
      %dma_start3A_66 = tpu.memref_slice %arg3[%add3A_34] : memref<32768xi32, #tpu.memory_space<hbm>> -> memref<128xi32, #tpu.memory_space<hbm>>
      tpu.enqueue_dma source(%dma_start3A_66 : memref<128xi32, #tpu.memory_space<hbm>>) target(%arg5 : memref<128xi32, #tpu.memory_space<vmem>>) target_semaphore(%run_scoped3A : memref<!tpu.dma_semaphore, #tpu.memory_space<semaphore_mem>>)
      %dma_wait3A_67 = tpu.memref_slice %arg3[%add3A_34] : memref<32768xi32, #tpu.memory_space<hbm>> -> memref<128xi32, #tpu.memory_space<hbm>>
      %dma_wait3A_68 = tpu.memref_slice %arg3[%add3A_34] : memref<32768xi32, #tpu.memory_space<hbm>> -> memref<128xi32, #tpu.memory_space<hbm>>
      tpu.wait_dma2 semaphore(%run_scoped3A : memref<!tpu.dma_semaphore, #tpu.memory_space<semaphore_mem>>) src(%dma_wait3A_68 : memref<128xi32, #tpu.memory_space<hbm>>) dst(%arg5 : memref<128xi32, #tpu.memory_space<vmem>>)
      tpu.yield
    }) : () -> ()
    %dma_start3A_35 = arith.constant 0 : i32
    %dma_start3A_36 = arith.constant 0 : i32
    %dma_start3A_37 = tpu.memref_slice %arg2[%dma_start3A_35, %dma_start3A_36] : memref<802816x128xf32, #tpu.memory_space<hbm>> -> memref<802816x128xf32, #tpu.memory_space<hbm>>
    tpu.enqueue_indirect_dma source(%dma_start3A_37 : memref<802816x128xf32, #tpu.memory_space<hbm>>) target(%arg6 : memref<128x128xf32, #tpu.memory_space<vmem>>) offsets(%arg5 : memref<128xi32, #tpu.memory_space<vmem>>) semaphore(%arg7 : memref<!tpu.dma_semaphore, #tpu.memory_space<semaphore_mem>>)
    %dma_wait3A_38 = arith.constant 0 : i32
    %dma_wait3A_39 = arith.constant 0 : i32
    %dma_wait3A_40 = tpu.memref_slice %arg2[%dma_wait3A_38, %dma_wait3A_39] : memref<802816x128xf32, #tpu.memory_space<hbm>> -> memref<802816x128xf32, #tpu.memory_space<hbm>>
    tpu.wait_indirect_dma semaphore(%arg7 : memref<!tpu.dma_semaphore, #tpu.memory_space<semaphore_mem>>) src(%dma_wait3A_40 : memref<802816x128xf32, #tpu.memory_space<hbm>>) dst(%arg6 : memref<128x128xf32, #tpu.memory_space<vmem>>)
    "tpu.region"() ({
      %run_scoped3A = tpu.sem_alloc : memref<!tpu.dma_semaphore, #tpu.memory_space<semaphore_mem>>
      %dma_start3A_65 = arith.constant 0 : i32
      %dma_start3A_66 = tpu.memref_slice %arg4[%add3A_34, %dma_start3A_65] : memref<32768x128xf32, #tpu.memory_space<hbm>> -> memref<128x128xf32, #tpu.memory_space<hbm>>
      %dma_start3A_67 = arith.constant 0 : i32
      %dma_start3A_68 = tpu.memref_slice %arg4[%add3A_34, %dma_start3A_67] : memref<32768x128xf32, #tpu.memory_space<hbm>> -> memref<128x128xf32, #tpu.memory_space<hbm>>
      tpu.enqueue_dma source(%arg6 : memref<128x128xf32, #tpu.memory_space<vmem>>) target(%dma_start3A_68 : memref<128x128xf32, #tpu.memory_space<hbm>>) target_semaphore(%run_scoped3A : memref<!tpu.dma_semaphore, #tpu.memory_space<semaphore_mem>>)
      %dma_wait3A_69 = arith.constant 0 : i32
      %dma_wait3A_70 = tpu.memref_slice %arg4[%add3A_34, %dma_wait3A_69] : memref<32768x128xf32, #tpu.memory_space<hbm>> -> memref<128x128xf32, #tpu.memory_space<hbm>>
      %dma_wait3A_71 = arith.constant 0 : i32
      %dma_wait3A_72 = tpu.memref_slice %arg4[%add3A_34, %dma_wait3A_71] : memref<32768x128xf32, #tpu.memory_space<hbm>> -> memref<128x128xf32, #tpu.memory_space<hbm>>
      tpu.wait_dma2 semaphore(%run_scoped3A : memref<!tpu.dma_semaphore, #tpu.memory_space<semaphore_mem>>) src(%arg6 : memref<128x128xf32, #tpu.memory_space<vmem>>) dst(%dma_wait3A_72 : memref<128x128xf32, #tpu.memory_space<hbm>>)
      tpu.yield
    }) : () -> ()
    %add3A_41 = arith.constant 640 : i32
    %add3A_42 = arith.addi %mul3A_2, %add3A_41 : i32
    "tpu.region"() ({
      %run_scoped3A = tpu.sem_alloc : memref<!tpu.dma_semaphore, #tpu.memory_space<semaphore_mem>>
      %dma_start3A_65 = tpu.memref_slice %arg3[%add3A_42] : memref<32768xi32, #tpu.memory_space<hbm>> -> memref<128xi32, #tpu.memory_space<hbm>>
      %dma_start3A_66 = tpu.memref_slice %arg3[%add3A_42] : memref<32768xi32, #tpu.memory_space<hbm>> -> memref<128xi32, #tpu.memory_space<hbm>>
      tpu.enqueue_dma source(%dma_start3A_66 : memref<128xi32, #tpu.memory_space<hbm>>) target(%arg5 : memref<128xi32, #tpu.memory_space<vmem>>) target_semaphore(%run_scoped3A : memref<!tpu.dma_semaphore, #tpu.memory_space<semaphore_mem>>)
      %dma_wait3A_67 = tpu.memref_slice %arg3[%add3A_42] : memref<32768xi32, #tpu.memory_space<hbm>> -> memref<128xi32, #tpu.memory_space<hbm>>
      %dma_wait3A_68 = tpu.memref_slice %arg3[%add3A_42] : memref<32768xi32, #tpu.memory_space<hbm>> -> memref<128xi32, #tpu.memory_space<hbm>>
      tpu.wait_dma2 semaphore(%run_scoped3A : memref<!tpu.dma_semaphore, #tpu.memory_space<semaphore_mem>>) src(%dma_wait3A_68 : memref<128xi32, #tpu.memory_space<hbm>>) dst(%arg5 : memref<128xi32, #tpu.memory_space<vmem>>)
      tpu.yield
    }) : () -> ()
    %dma_start3A_43 = arith.constant 0 : i32
    %dma_start3A_44 = arith.constant 0 : i32
    %dma_start3A_45 = tpu.memref_slice %arg2[%dma_start3A_43, %dma_start3A_44] : memref<802816x128xf32, #tpu.memory_space<hbm>> -> memref<802816x128xf32, #tpu.memory_space<hbm>>
    tpu.enqueue_indirect_dma source(%dma_start3A_45 : memref<802816x128xf32, #tpu.memory_space<hbm>>) target(%arg6 : memref<128x128xf32, #tpu.memory_space<vmem>>) offsets(%arg5 : memref<128xi32, #tpu.memory_space<vmem>>) semaphore(%arg7 : memref<!tpu.dma_semaphore, #tpu.memory_space<semaphore_mem>>)
    %dma_wait3A_46 = arith.constant 0 : i32
    %dma_wait3A_47 = arith.constant 0 : i32
    %dma_wait3A_48 = tpu.memref_slice %arg2[%dma_wait3A_46, %dma_wait3A_47] : memref<802816x128xf32, #tpu.memory_space<hbm>> -> memref<802816x128xf32, #tpu.memory_space<hbm>>
    tpu.wait_indirect_dma semaphore(%arg7 : memref<!tpu.dma_semaphore, #tpu.memory_space<semaphore_mem>>) src(%dma_wait3A_48 : memref<802816x128xf32, #tpu.memory_space<hbm>>) dst(%arg6 : memref<128x128xf32, #tpu.memory_space<vmem>>)
    "tpu.region"() ({
      %run_scoped3A = tpu.sem_alloc : memref<!tpu.dma_semaphore, #tpu.memory_space<semaphore_mem>>
      %dma_start3A_65 = arith.constant 0 : i32
      %dma_start3A_66 = tpu.memref_slice %arg4[%add3A_42, %dma_start3A_65] : memref<32768x128xf32, #tpu.memory_space<hbm>> -> memref<128x128xf32, #tpu.memory_space<hbm>>
      %dma_start3A_67 = arith.constant 0 : i32
      %dma_start3A_68 = tpu.memref_slice %arg4[%add3A_42, %dma_start3A_67] : memref<32768x128xf32, #tpu.memory_space<hbm>> -> memref<128x128xf32, #tpu.memory_space<hbm>>
      tpu.enqueue_dma source(%arg6 : memref<128x128xf32, #tpu.memory_space<vmem>>) target(%dma_start3A_68 : memref<128x128xf32, #tpu.memory_space<hbm>>) target_semaphore(%run_scoped3A : memref<!tpu.dma_semaphore, #tpu.memory_space<semaphore_mem>>)
      %dma_wait3A_69 = arith.constant 0 : i32
      %dma_wait3A_70 = tpu.memref_slice %arg4[%add3A_42, %dma_wait3A_69] : memref<32768x128xf32, #tpu.memory_space<hbm>> -> memref<128x128xf32, #tpu.memory_space<hbm>>
      %dma_wait3A_71 = arith.constant 0 : i32
      %dma_wait3A_72 = tpu.memref_slice %arg4[%add3A_42, %dma_wait3A_71] : memref<32768x128xf32, #tpu.memory_space<hbm>> -> memref<128x128xf32, #tpu.memory_space<hbm>>
      tpu.wait_dma2 semaphore(%run_scoped3A : memref<!tpu.dma_semaphore, #tpu.memory_space<semaphore_mem>>) src(%arg6 : memref<128x128xf32, #tpu.memory_space<vmem>>) dst(%dma_wait3A_72 : memref<128x128xf32, #tpu.memory_space<hbm>>)
      tpu.yield
    }) : () -> ()
    %add3A_49 = arith.constant 768 : i32
    %add3A_50 = arith.addi %mul3A_2, %add3A_49 : i32
    "tpu.region"() ({
      %run_scoped3A = tpu.sem_alloc : memref<!tpu.dma_semaphore, #tpu.memory_space<semaphore_mem>>
      %dma_start3A_65 = tpu.memref_slice %arg3[%add3A_50] : memref<32768xi32, #tpu.memory_space<hbm>> -> memref<128xi32, #tpu.memory_space<hbm>>
      %dma_start3A_66 = tpu.memref_slice %arg3[%add3A_50] : memref<32768xi32, #tpu.memory_space<hbm>> -> memref<128xi32, #tpu.memory_space<hbm>>
      tpu.enqueue_dma source(%dma_start3A_66 : memref<128xi32, #tpu.memory_space<hbm>>) target(%arg5 : memref<128xi32, #tpu.memory_space<vmem>>) target_semaphore(%run_scoped3A : memref<!tpu.dma_semaphore, #tpu.memory_space<semaphore_mem>>)
      %dma_wait3A_67 = tpu.memref_slice %arg3[%add3A_50] : memref<32768xi32, #tpu.memory_space<hbm>> -> memref<128xi32, #tpu.memory_space<hbm>>
      %dma_wait3A_68 = tpu.memref_slice %arg3[%add3A_50] : memref<32768xi32, #tpu.memory_space<hbm>> -> memref<128xi32, #tpu.memory_space<hbm>>
      tpu.wait_dma2 semaphore(%run_scoped3A : memref<!tpu.dma_semaphore, #tpu.memory_space<semaphore_mem>>) src(%dma_wait3A_68 : memref<128xi32, #tpu.memory_space<hbm>>) dst(%arg5 : memref<128xi32, #tpu.memory_space<vmem>>)
      tpu.yield
    }) : () -> ()
    %dma_start3A_51 = arith.constant 0 : i32
    %dma_start3A_52 = arith.constant 0 : i32
    %dma_start3A_53 = tpu.memref_slice %arg2[%dma_start3A_51, %dma_start3A_52] : memref<802816x128xf32, #tpu.memory_space<hbm>> -> memref<802816x128xf32, #tpu.memory_space<hbm>>
    tpu.enqueue_indirect_dma source(%dma_start3A_53 : memref<802816x128xf32, #tpu.memory_space<hbm>>) target(%arg6 : memref<128x128xf32, #tpu.memory_space<vmem>>) offsets(%arg5 : memref<128xi32, #tpu.memory_space<vmem>>) semaphore(%arg7 : memref<!tpu.dma_semaphore, #tpu.memory_space<semaphore_mem>>)
    %dma_wait3A_54 = arith.constant 0 : i32
    %dma_wait3A_55 = arith.constant 0 : i32
    %dma_wait3A_56 = tpu.memref_slice %arg2[%dma_wait3A_54, %dma_wait3A_55] : memref<802816x128xf32, #tpu.memory_space<hbm>> -> memref<802816x128xf32, #tpu.memory_space<hbm>>
    tpu.wait_indirect_dma semaphore(%arg7 : memref<!tpu.dma_semaphore, #tpu.memory_space<semaphore_mem>>) src(%dma_wait3A_56 : memref<802816x128xf32, #tpu.memory_space<hbm>>) dst(%arg6 : memref<128x128xf32, #tpu.memory_space<vmem>>)
    "tpu.region"() ({
      %run_scoped3A = tpu.sem_alloc : memref<!tpu.dma_semaphore, #tpu.memory_space<semaphore_mem>>
      %dma_start3A_65 = arith.constant 0 : i32
      %dma_start3A_66 = tpu.memref_slice %arg4[%add3A_50, %dma_start3A_65] : memref<32768x128xf32, #tpu.memory_space<hbm>> -> memref<128x128xf32, #tpu.memory_space<hbm>>
      %dma_start3A_67 = arith.constant 0 : i32
      %dma_start3A_68 = tpu.memref_slice %arg4[%add3A_50, %dma_start3A_67] : memref<32768x128xf32, #tpu.memory_space<hbm>> -> memref<128x128xf32, #tpu.memory_space<hbm>>
      tpu.enqueue_dma source(%arg6 : memref<128x128xf32, #tpu.memory_space<vmem>>) target(%dma_start3A_68 : memref<128x128xf32, #tpu.memory_space<hbm>>) target_semaphore(%run_scoped3A : memref<!tpu.dma_semaphore, #tpu.memory_space<semaphore_mem>>)
      %dma_wait3A_69 = arith.constant 0 : i32
      %dma_wait3A_70 = tpu.memref_slice %arg4[%add3A_50, %dma_wait3A_69] : memref<32768x128xf32, #tpu.memory_space<hbm>> -> memref<128x128xf32, #tpu.memory_space<hbm>>
      %dma_wait3A_71 = arith.constant 0 : i32
      %dma_wait3A_72 = tpu.memref_slice %arg4[%add3A_50, %dma_wait3A_71] : memref<32768x128xf32, #tpu.memory_space<hbm>> -> memref<128x128xf32, #tpu.memory_space<hbm>>
      tpu.wait_dma2 semaphore(%run_scoped3A : memref<!tpu.dma_semaphore, #tpu.memory_space<semaphore_mem>>) src(%arg6 : memref<128x128xf32, #tpu.memory_space<vmem>>) dst(%dma_wait3A_72 : memref<128x128xf32, #tpu.memory_space<hbm>>)
      tpu.yield
    }) : () -> ()
    %add3A_57 = arith.constant 896 : i32
    %add3A_58 = arith.addi %mul3A_2, %add3A_57 : i32
    "tpu.region"() ({
      %run_scoped3A = tpu.sem_alloc : memref<!tpu.dma_semaphore, #tpu.memory_space<semaphore_mem>>
      %dma_start3A_65 = tpu.memref_slice %arg3[%add3A_58] : memref<32768xi32, #tpu.memory_space<hbm>> -> memref<128xi32, #tpu.memory_space<hbm>>
      %dma_start3A_66 = tpu.memref_slice %arg3[%add3A_58] : memref<32768xi32, #tpu.memory_space<hbm>> -> memref<128xi32, #tpu.memory_space<hbm>>
      tpu.enqueue_dma source(%dma_start3A_66 : memref<128xi32, #tpu.memory_space<hbm>>) target(%arg5 : memref<128xi32, #tpu.memory_space<vmem>>) target_semaphore(%run_scoped3A : memref<!tpu.dma_semaphore, #tpu.memory_space<semaphore_mem>>)
      %dma_wait3A_67 = tpu.memref_slice %arg3[%add3A_58] : memref<32768xi32, #tpu.memory_space<hbm>> -> memref<128xi32, #tpu.memory_space<hbm>>
      %dma_wait3A_68 = tpu.memref_slice %arg3[%add3A_58] : memref<32768xi32, #tpu.memory_space<hbm>> -> memref<128xi32, #tpu.memory_space<hbm>>
      tpu.wait_dma2 semaphore(%run_scoped3A : memref<!tpu.dma_semaphore, #tpu.memory_space<semaphore_mem>>) src(%dma_wait3A_68 : memref<128xi32, #tpu.memory_space<hbm>>) dst(%arg5 : memref<128xi32, #tpu.memory_space<vmem>>)
      tpu.yield
    }) : () -> ()
    %dma_start3A_59 = arith.constant 0 : i32
    %dma_start3A_60 = arith.constant 0 : i32
    %dma_start3A_61 = tpu.memref_slice %arg2[%dma_start3A_59, %dma_start3A_60] : memref<802816x128xf32, #tpu.memory_space<hbm>> -> memref<802816x128xf32, #tpu.memory_space<hbm>>
    tpu.enqueue_indirect_dma source(%dma_start3A_61 : memref<802816x128xf32, #tpu.memory_space<hbm>>) target(%arg6 : memref<128x128xf32, #tpu.memory_space<vmem>>) offsets(%arg5 : memref<128xi32, #tpu.memory_space<vmem>>) semaphore(%arg7 : memref<!tpu.dma_semaphore, #tpu.memory_space<semaphore_mem>>)
    %dma_wait3A_62 = arith.constant 0 : i32
    %dma_wait3A_63 = arith.constant 0 : i32
    %dma_wait3A_64 = tpu.memref_slice %arg2[%dma_wait3A_62, %dma_wait3A_63] : memref<802816x128xf32, #tpu.memory_space<hbm>> -> memref<802816x128xf32, #tpu.memory_space<hbm>>
    tpu.wait_indirect_dma semaphore(%arg7 : memref<!tpu.dma_semaphore, #tpu.memory_space<semaphore_mem>>) src(%dma_wait3A_64 : memref<802816x128xf32, #tpu.memory_space<hbm>>) dst(%arg6 : memref<128x128xf32, #tpu.memory_space<vmem>>)
    "tpu.region"() ({
      %run_scoped3A = tpu.sem_alloc : memref<!tpu.dma_semaphore, #tpu.memory_space<semaphore_mem>>
      %dma_start3A_65 = arith.constant 0 : i32
      %dma_start3A_66 = tpu.memref_slice %arg4[%add3A_58, %dma_start3A_65] : memref<32768x128xf32, #tpu.memory_space<hbm>> -> memref<128x128xf32, #tpu.memory_space<hbm>>
      %dma_start3A_67 = arith.constant 0 : i32
      %dma_start3A_68 = tpu.memref_slice %arg4[%add3A_58, %dma_start3A_67] : memref<32768x128xf32, #tpu.memory_space<hbm>> -> memref<128x128xf32, #tpu.memory_space<hbm>>
      tpu.enqueue_dma source(%arg6 : memref<128x128xf32, #tpu.memory_space<vmem>>) target(%dma_start3A_68 : memref<128x128xf32, #tpu.memory_space<hbm>>) target_semaphore(%run_scoped3A : memref<!tpu.dma_semaphore, #tpu.memory_space<semaphore_mem>>)
      %dma_wait3A_69 = arith.constant 0 : i32
      %dma_wait3A_70 = tpu.memref_slice %arg4[%add3A_58, %dma_wait3A_69] : memref<32768x128xf32, #tpu.memory_space<hbm>> -> memref<128x128xf32, #tpu.memory_space<hbm>>
      %dma_wait3A_71 = arith.constant 0 : i32
      %dma_wait3A_72 = tpu.memref_slice %arg4[%add3A_58, %dma_wait3A_71] : memref<32768x128xf32, #tpu.memory_space<hbm>> -> memref<128x128xf32, #tpu.memory_space<hbm>>
      tpu.wait_dma2 semaphore(%run_scoped3A : memref<!tpu.dma_semaphore, #tpu.memory_space<semaphore_mem>>) src(%arg6 : memref<128x128xf32, #tpu.memory_space<vmem>>) dst(%dma_wait3A_72 : memref<128x128xf32, #tpu.memory_space<hbm>>)
      tpu.yield
    }) : () -> ()
    return
  }
}

module attributes {stable_mosaic.version = 14 : i64} {
  func.func @_dist_body(%arg0: i32, %arg1: memref<1024x512xf32, #tpu.memory_space<vmem>>, %arg2: memref<2048x512xf32, #tpu.memory_space<vmem>>, %arg3: memref<1024x1xf32, #tpu.memory_space<vmem>>, %arg4: memref<1x1x2048xf32, #tpu.memory_space<vmem>>, %arg5: memref<128x128x128xf32, #tpu.memory_space<vmem>>, %arg6: memref<1x1024x16xf32, #tpu.memory_space<vmem>>) attributes {dimension_semantics = [#tpu.dimension_semantics<arbitrary>], iteration_bounds = array<i64: 49>, scalar_prefetch = 0 : i64, scratch_operands = 0 : i64, tpu.core_type = #tpu.core_type<tc>, window_params = [{pipeline_mode = #tpu.pipeline_mode<synchronous>, transform_indices = @transform_0, window_bounds = array<i64: 1024, 512>}, {transform_indices = @transform_1, window_bounds = array<i64: 2048, 512>}, {pipeline_mode = #tpu.pipeline_mode<synchronous>, transform_indices = @transform_2, window_bounds = array<i64: 1024, 1>}, {transform_indices = @transform_3, window_bounds = array<i64: 1, 1, 2048>}, {transform_indices = @transform_4, window_bounds = array<i64: 128, 128, 128>}, {transform_indices = @transform_5, window_bounds = array<i64: 1, 1024, 16>}]} {
    %get3A = arith.constant 0 : index
    %get3A_0 = arith.constant 0 : index
    %get3A_1 = vector.load %arg1[%get3A, %get3A_0] : memref<1024x512xf32, #tpu.memory_space<vmem>>, vector<1024x512xf32>
    %get3A_2 = arith.constant 0 : index
    %get3A_3 = arith.constant 0 : index
    %get3A_4 = vector.load %arg2[%get3A_2, %get3A_3] : memref<2048x512xf32, #tpu.memory_space<vmem>>, vector<2048x512xf32>
    %dot_general3A = arith.constant dense<0.000000e+00> : vector<1024x2048xf32>
    %dot_general3A_5 = tpu.matmul %get3A_1, %get3A_4, %dot_general3A {dimension_numbers = #tpu.dot_dimension_numbers<[1], [1], [0], [0], [0, 0, 1, 0], [], []>, transpose_lhs_hint = false} : vector<1024x512xf32>, vector<2048x512xf32>, vector<1024x2048xf32> -> vector<1024x2048xf32>
    %get3A_6 = arith.constant 0 : index
    %get3A_7 = arith.constant 0 : index
    %get3A_8 = vector.load %arg3[%get3A_6, %get3A_7] : memref<1024x1xf32, #tpu.memory_space<vmem>>, vector<1024x1xf32>
    %get3A_9 = arith.constant 0 : index
    %get3A_10 = arith.constant 0 : index
    %get3A_11 = arith.constant 0 : index
    %get3A_12 = vector.load %arg4[%get3A_9, %get3A_10, %get3A_11] : memref<1x1x2048xf32, #tpu.memory_space<vmem>>, vector<1x1x2048xf32>
    %get3A_13 = vector.shape_cast %get3A_12 : vector<1x1x2048xf32> to vector<1x2048xf32>
    %add3A = vector.broadcast %get3A_8 : vector<1024x1xf32> to vector<1024x2048xf32>
    %add3A_14 = vector.broadcast %get3A_13 : vector<1x2048xf32> to vector<1024x2048xf32>
    %add3A_15 = arith.addf %add3A, %add3A_14 : vector<1024x2048xf32>
    %mul3A = arith.constant 2.000000e+00 : f32
    %mul3A_16 = vector.broadcast %mul3A : f32 to vector<1024x2048xf32>
    %mul3A_17 = arith.mulf %mul3A_16, %dot_general3A_5 : vector<1024x2048xf32>
    %sub3A = arith.subf %add3A_15, %mul3A_17 : vector<1024x2048xf32>
    %mul3A_18 = arith.constant 2048 : i32
    %mul3A_19 = arith.muli %arg0, %mul3A_18 : i32
    %iota3A = tpu.iota {dimensions = array<i32: 1>} : vector<1024x2048xi32>
    %add3A_20 = vector.broadcast %mul3A_19 : i32 to vector<1024x2048xi32>
    %add3A_21 = arith.addi %add3A_20, %iota3A : vector<1024x2048xi32>
    %ge3A = arith.constant 100000 : i32
    %ge3A_22 = vector.broadcast %ge3A : i32 to vector<1024x2048xi32>
    %ge3A_23 = arith.cmpi sge, %add3A_21, %ge3A_22 : vector<1024x2048xi32>
    %jit3A = arith.constant 1.000000e+30 : f32
    %broadcast_in_dim3A = vector.broadcast %jit3A : f32 to vector<1024x2048xf32>
    %select_n3A = arith.select %ge3A_23, %broadcast_in_dim3A, %sub3A : vector<1024x2048xi1>, vector<1024x2048xf32>
    %slice3A = vector.extract_strided_slice %select_n3A {offsets = [0, 0], sizes = [1024, 128], strides = [1, 1]} : vector<1024x2048xf32> to vector<1024x128xf32>
    %reshape3A = vector.shape_cast %slice3A : vector<1024x128xf32> to vector<128x8x128xf32>
    %swap3A = arith.constant 0 : index
    %swap3A_24 = arith.constant 0 : index
    %swap3A_25 = arith.constant 0 : index
    %swap3A_26 = vector.load %arg5[%swap3A, %swap3A_24, %swap3A_25] : memref<128x128x128xf32, #tpu.memory_space<vmem>>, vector<128x8x128xf32>
    tpu.vector_store %arg5[%swap3A, %swap3A_24, %swap3A_25], %reshape3A {strides = array<i32>} : memref<128x128x128xf32, #tpu.memory_space<vmem>>, vector<128x8x128xf32>,
    %slice3A_27 = vector.extract_strided_slice %select_n3A {offsets = [0, 128], sizes = [1024, 128], strides = [1, 1]} : vector<1024x2048xf32> to vector<1024x128xf32>
    %reshape3A_28 = vector.shape_cast %slice3A_27 : vector<1024x128xf32> to vector<128x8x128xf32>
    %swap3A_29 = arith.constant 0 : index
    %swap3A_30 = arith.constant 8 : index
    %swap3A_31 = arith.constant 0 : index
    %swap3A_32 = vector.load %arg5[%swap3A_29, %swap3A_30, %swap3A_31] : memref<128x128x128xf32, #tpu.memory_space<vmem>>, vector<128x8x128xf32>
    tpu.vector_store %arg5[%swap3A_29, %swap3A_30, %swap3A_31], %reshape3A_28 {strides = array<i32>} : memref<128x128x128xf32, #tpu.memory_space<vmem>>, vector<128x8x128xf32>,
    %slice3A_33 = vector.extract_strided_slice %select_n3A {offsets = [0, 256], sizes = [1024, 128], strides = [1, 1]} : vector<1024x2048xf32> to vector<1024x128xf32>
    %reshape3A_34 = vector.shape_cast %slice3A_33 : vector<1024x128xf32> to vector<128x8x128xf32>
    %swap3A_35 = arith.constant 0 : index
    %swap3A_36 = arith.constant 16 : index
    %swap3A_37 = arith.constant 0 : index
    %swap3A_38 = vector.load %arg5[%swap3A_35, %swap3A_36, %swap3A_37] : memref<128x128x128xf32, #tpu.memory_space<vmem>>, vector<128x8x128xf32>
    tpu.vector_store %arg5[%swap3A_35, %swap3A_36, %swap3A_37], %reshape3A_34 {strides = array<i32>} : memref<128x128x128xf32, #tpu.memory_space<vmem>>, vector<128x8x128xf32>,
    %slice3A_39 = vector.extract_strided_slice %select_n3A {offsets = [0, 384], sizes = [1024, 128], strides = [1, 1]} : vector<1024x2048xf32> to vector<1024x128xf32>
    %reshape3A_40 = vector.shape_cast %slice3A_39 : vector<1024x128xf32> to vector<128x8x128xf32>
    %swap3A_41 = arith.constant 0 : index
    %swap3A_42 = arith.constant 24 : index
    %swap3A_43 = arith.constant 0 : index
    %swap3A_44 = vector.load %arg5[%swap3A_41, %swap3A_42, %swap3A_43] : memref<128x128x128xf32, #tpu.memory_space<vmem>>, vector<128x8x128xf32>
    tpu.vector_store %arg5[%swap3A_41, %swap3A_42, %swap3A_43], %reshape3A_40 {strides = array<i32>} : memref<128x128x128xf32, #tpu.memory_space<vmem>>, vector<128x8x128xf32>,
    %slice3A_45 = vector.extract_strided_slice %select_n3A {offsets = [0, 512], sizes = [1024, 128], strides = [1, 1]} : vector<1024x2048xf32> to vector<1024x128xf32>
    %reshape3A_46 = vector.shape_cast %slice3A_45 : vector<1024x128xf32> to vector<128x8x128xf32>
    %swap3A_47 = arith.constant 0 : index
    %swap3A_48 = arith.constant 32 : index
    %swap3A_49 = arith.constant 0 : index
    %swap3A_50 = vector.load %arg5[%swap3A_47, %swap3A_48, %swap3A_49] : memref<128x128x128xf32, #tpu.memory_space<vmem>>, vector<128x8x128xf32>
    tpu.vector_store %arg5[%swap3A_47, %swap3A_48, %swap3A_49], %reshape3A_46 {strides = array<i32>} : memref<128x128x128xf32, #tpu.memory_space<vmem>>, vector<128x8x128xf32>,
    %slice3A_51 = vector.extract_strided_slice %select_n3A {offsets = [0, 640], sizes = [1024, 128], strides = [1, 1]} : vector<1024x2048xf32> to vector<1024x128xf32>
    %reshape3A_52 = vector.shape_cast %slice3A_51 : vector<1024x128xf32> to vector<128x8x128xf32>
    %swap3A_53 = arith.constant 0 : index
    %swap3A_54 = arith.constant 40 : index
    %swap3A_55 = arith.constant 0 : index
    %swap3A_56 = vector.load %arg5[%swap3A_53, %swap3A_54, %swap3A_55] : memref<128x128x128xf32, #tpu.memory_space<vmem>>, vector<128x8x128xf32>
    tpu.vector_store %arg5[%swap3A_53, %swap3A_54, %swap3A_55], %reshape3A_52 {strides = array<i32>} : memref<128x128x128xf32, #tpu.memory_space<vmem>>, vector<128x8x128xf32>,
    %slice3A_57 = vector.extract_strided_slice %select_n3A {offsets = [0, 768], sizes = [1024, 128], strides = [1, 1]} : vector<1024x2048xf32> to vector<1024x128xf32>
    %reshape3A_58 = vector.shape_cast %slice3A_57 : vector<1024x128xf32> to vector<128x8x128xf32>
    %swap3A_59 = arith.constant 0 : index
    %swap3A_60 = arith.constant 48 : index
    %swap3A_61 = arith.constant 0 : index
    %swap3A_62 = vector.load %arg5[%swap3A_59, %swap3A_60, %swap3A_61] : memref<128x128x128xf32, #tpu.memory_space<vmem>>, vector<128x8x128xf32>
    tpu.vector_store %arg5[%swap3A_59, %swap3A_60, %swap3A_61], %reshape3A_58 {strides = array<i32>} : memref<128x128x128xf32, #tpu.memory_space<vmem>>, vector<128x8x128xf32>,
    %slice3A_63 = vector.extract_strided_slice %select_n3A {offsets = [0, 896], sizes = [1024, 128], strides = [1, 1]} : vector<1024x2048xf32> to vector<1024x128xf32>
    %reshape3A_64 = vector.shape_cast %slice3A_63 : vector<1024x128xf32> to vector<128x8x128xf32>
    %swap3A_65 = arith.constant 0 : index
    %swap3A_66 = arith.constant 56 : index
    %swap3A_67 = arith.constant 0 : index
    %swap3A_68 = vector.load %arg5[%swap3A_65, %swap3A_66, %swap3A_67] : memref<128x128x128xf32, #tpu.memory_space<vmem>>, vector<128x8x128xf32>
    tpu.vector_store %arg5[%swap3A_65, %swap3A_66, %swap3A_67], %reshape3A_64 {strides = array<i32>} : memref<128x128x128xf32, #tpu.memory_space<vmem>>, vector<128x8x128xf32>,
    %slice3A_69 = vector.extract_strided_slice %select_n3A {offsets = [0, 1024], sizes = [1024, 128], strides = [1, 1]} : vector<1024x2048xf32> to vector<1024x128xf32>
    %reshape3A_70 = vector.shape_cast %slice3A_69 : vector<1024x128xf32> to vector<128x8x128xf32>
    %swap3A_71 = arith.constant 0 : index
    %swap3A_72 = arith.constant 64 : index
    %swap3A_73 = arith.constant 0 : index
    %swap3A_74 = vector.load %arg5[%swap3A_71, %swap3A_72, %swap3A_73] : memref<128x128x128xf32, #tpu.memory_space<vmem>>, vector<128x8x128xf32>
    tpu.vector_store %arg5[%swap3A_71, %swap3A_72, %swap3A_73], %reshape3A_70 {strides = array<i32>} : memref<128x128x128xf32, #tpu.memory_space<vmem>>, vector<128x8x128xf32>,
    %slice3A_75 = vector.extract_strided_slice %select_n3A {offsets = [0, 1152], sizes = [1024, 128], strides = [1, 1]} : vector<1024x2048xf32> to vector<1024x128xf32>
    %reshape3A_76 = vector.shape_cast %slice3A_75 : vector<1024x128xf32> to vector<128x8x128xf32>
    %swap3A_77 = arith.constant 0 : index
    %swap3A_78 = arith.constant 72 : index
    %swap3A_79 = arith.constant 0 : index
    %swap3A_80 = vector.load %arg5[%swap3A_77, %swap3A_78, %swap3A_79] : memref<128x128x128xf32, #tpu.memory_space<vmem>>, vector<128x8x128xf32>
    tpu.vector_store %arg5[%swap3A_77, %swap3A_78, %swap3A_79], %reshape3A_76 {strides = array<i32>} : memref<128x128x128xf32, #tpu.memory_space<vmem>>, vector<128x8x128xf32>,
    %slice3A_81 = vector.extract_strided_slice %select_n3A {offsets = [0, 1280], sizes = [1024, 128], strides = [1, 1]} : vector<1024x2048xf32> to vector<1024x128xf32>
    %reshape3A_82 = vector.shape_cast %slice3A_81 : vector<1024x128xf32> to vector<128x8x128xf32>
    %swap3A_83 = arith.constant 0 : index
    %swap3A_84 = arith.constant 80 : index
    %swap3A_85 = arith.constant 0 : index
    %swap3A_86 = vector.load %arg5[%swap3A_83, %swap3A_84, %swap3A_85] : memref<128x128x128xf32, #tpu.memory_space<vmem>>, vector<128x8x128xf32>
    tpu.vector_store %arg5[%swap3A_83, %swap3A_84, %swap3A_85], %reshape3A_82 {strides = array<i32>} : memref<128x128x128xf32, #tpu.memory_space<vmem>>, vector<128x8x128xf32>,
    %slice3A_87 = vector.extract_strided_slice %select_n3A {offsets = [0, 1408], sizes = [1024, 128], strides = [1, 1]} : vector<1024x2048xf32> to vector<1024x128xf32>
    %reshape3A_88 = vector.shape_cast %slice3A_87 : vector<1024x128xf32> to vector<128x8x128xf32>
    %swap3A_89 = arith.constant 0 : index
    %swap3A_90 = arith.constant 88 : index
    %swap3A_91 = arith.constant 0 : index
    %swap3A_92 = vector.load %arg5[%swap3A_89, %swap3A_90, %swap3A_91] : memref<128x128x128xf32, #tpu.memory_space<vmem>>, vector<128x8x128xf32>
    tpu.vector_store %arg5[%swap3A_89, %swap3A_90, %swap3A_91], %reshape3A_88 {strides = array<i32>} : memref<128x128x128xf32, #tpu.memory_space<vmem>>, vector<128x8x128xf32>,
    %slice3A_93 = vector.extract_strided_slice %select_n3A {offsets = [0, 1536], sizes = [1024, 128], strides = [1, 1]} : vector<1024x2048xf32> to vector<1024x128xf32>
    %reshape3A_94 = vector.shape_cast %slice3A_93 : vector<1024x128xf32> to vector<128x8x128xf32>
    %swap3A_95 = arith.constant 0 : index
    %swap3A_96 = arith.constant 96 : index
    %swap3A_97 = arith.constant 0 : index
    %swap3A_98 = vector.load %arg5[%swap3A_95, %swap3A_96, %swap3A_97] : memref<128x128x128xf32, #tpu.memory_space<vmem>>, vector<128x8x128xf32>
    tpu.vector_store %arg5[%swap3A_95, %swap3A_96, %swap3A_97], %reshape3A_94 {strides = array<i32>} : memref<128x128x128xf32, #tpu.memory_space<vmem>>, vector<128x8x128xf32>,
    %slice3A_99 = vector.extract_strided_slice %select_n3A {offsets = [0, 1664], sizes = [1024, 128], strides = [1, 1]} : vector<1024x2048xf32> to vector<1024x128xf32>
    %reshape3A_100 = vector.shape_cast %slice3A_99 : vector<1024x128xf32> to vector<128x8x128xf32>
    %swap3A_101 = arith.constant 0 : index
    %swap3A_102 = arith.constant 104 : index
    %swap3A_103 = arith.constant 0 : index
    %swap3A_104 = vector.load %arg5[%swap3A_101, %swap3A_102, %swap3A_103] : memref<128x128x128xf32, #tpu.memory_space<vmem>>, vector<128x8x128xf32>
    tpu.vector_store %arg5[%swap3A_101, %swap3A_102, %swap3A_103], %reshape3A_100 {strides = array<i32>} : memref<128x128x128xf32, #tpu.memory_space<vmem>>, vector<128x8x128xf32>,
    %slice3A_105 = vector.extract_strided_slice %select_n3A {offsets = [0, 1792], sizes = [1024, 128], strides = [1, 1]} : vector<1024x2048xf32> to vector<1024x128xf32>
    %reshape3A_106 = vector.shape_cast %slice3A_105 : vector<1024x128xf32> to vector<128x8x128xf32>
    %swap3A_107 = arith.constant 0 : index
    %swap3A_108 = arith.constant 112 : index
    %swap3A_109 = arith.constant 0 : index
    %swap3A_110 = vector.load %arg5[%swap3A_107, %swap3A_108, %swap3A_109] : memref<128x128x128xf32, #tpu.memory_space<vmem>>, vector<128x8x128xf32>
    tpu.vector_store %arg5[%swap3A_107, %swap3A_108, %swap3A_109], %reshape3A_106 {strides = array<i32>} : memref<128x128x128xf32, #tpu.memory_space<vmem>>, vector<128x8x128xf32>,
    %slice3A_111 = vector.extract_strided_slice %select_n3A {offsets = [0, 1920], sizes = [1024, 128], strides = [1, 1]} : vector<1024x2048xf32> to vector<1024x128xf32>
    %reshape3A_112 = vector.shape_cast %slice3A_111 : vector<1024x128xf32> to vector<128x8x128xf32>
    %swap3A_113 = arith.constant 0 : index
    %swap3A_114 = arith.constant 120 : index
    %swap3A_115 = arith.constant 0 : index
    %swap3A_116 = vector.load %arg5[%swap3A_113, %swap3A_114, %swap3A_115] : memref<128x128x128xf32, #tpu.memory_space<vmem>>, vector<128x8x128xf32>
    tpu.vector_store %arg5[%swap3A_113, %swap3A_114, %swap3A_115], %reshape3A_112 {strides = array<i32>} : memref<128x128x128xf32, #tpu.memory_space<vmem>>, vector<128x8x128xf32>,
    %reshape3A_117 = vector.shape_cast %select_n3A : vector<1024x2048xf32> to vector<1024x16x128xf32>
    %reduce_min3A = arith.constant dense<0x7F800000> : vector<1024x16xf32>
    %reduce_min3A_118 = vector.multi_reduction <minimumf>, %reshape3A_117, %reduce_min3A [2] : vector<1024x16x128xf32> to vector<1024x16xf32>
    %swap3A_119 = arith.constant 0 : index
    %swap3A_120 = arith.constant 0 : index
    %swap3A_121 = arith.constant 0 : index
    %swap3A_122 = vector.load %arg6[%swap3A_119, %swap3A_120, %swap3A_121] : memref<1x1024x16xf32, #tpu.memory_space<vmem>>, vector<1x1024x16xf32>
    %swap3A_123 = vector.shape_cast %swap3A_122 : vector<1x1024x16xf32> to vector<1024x16xf32>
    %swap3A_124 = vector.shape_cast %reduce_min3A_118 : vector<1024x16xf32> to vector<1x1024x16xf32>
    tpu.vector_store %arg6[%swap3A_119, %swap3A_120, %swap3A_121], %swap3A_124 {strides = array<i32>} : memref<1x1024x16xf32, #tpu.memory_space<vmem>>, vector<1x1024x16xf32>,
    return
  }
  func.func @transform_0(%arg0: i32) -> (i32, i32) {
    %c0_i32 = arith.constant 0 : i32
    %c0_i32_0 = arith.constant 0 : i32
    %c0_i32_1 = arith.constant 0 : i32
    return %c0_i32, %c0_i32_0 : i32, i32
  }
  func.func @transform_1(%arg0: i32) -> (i32, i32) {
    %c0_i32 = arith.constant 0 : i32
    %c0_i32_0 = arith.constant 0 : i32
    return %arg0, %c0_i32 : i32, i32
  }
  func.func @transform_2(%arg0: i32) -> (i32, i32) {
    %c0_i32 = arith.constant 0 : i32
    %c0_i32_0 = arith.constant 0 : i32
    %c0_i32_1 = arith.constant 0 : i32
    return %c0_i32, %c0_i32_0 : i32, i32
  }
  func.func @transform_3(%arg0: i32) -> (i32, i32, i32) {
    %c0_i32 = arith.constant 0 : i32
    %c0_i32_0 = arith.constant 0 : i32
    %c0_i32_1 = arith.constant 0 : i32
    return %arg0, %c0_i32, %c0_i32_0 : i32, i32, i32
  }
  func.func @transform_4(%arg0: i32) -> (i32, i32, i32) {
    %c0_i32 = arith.constant 0 : i32
    %c0_i32_0 = arith.constant 0 : i32
    %c0_i32_1 = arith.constant 0 : i32
    return %c0_i32, %arg0, %c0_i32_0 : i32, i32, i32
  }
  func.func @transform_5(%arg0: i32) -> (i32, i32, i32) {
    %c0_i32 = arith.constant 0 : i32
    %c0_i32_0 = arith.constant 0 : i32
    %c0_i32_1 = arith.constant 0 : i32
    return %arg0, %c0_i32, %c0_i32_0 : i32, i32, i32
  }
}

module attributes {stable_mosaic.version = 14 : i64} {
  func.func @_chunk_topk_body(%arg0: memref<1024x784xf32, #tpu.memory_space<vmem>>, %arg1: memref<1024x32xi32, #tpu.memory_space<vmem>>) attributes {dimension_semantics = [], scalar_prefetch = 0 : i64, scratch_operands = 0 : i64, tpu.core_type = #tpu.core_type<tc>} {
    %get3A = arith.constant 0 : index
    %get3A_0 = arith.constant 0 : index
    %get3A_1 = vector.load %arg0[%get3A, %get3A_0] : memref<1024x784xf32, #tpu.memory_space<vmem>>, vector<1024x784xf32>
    %iota3A = tpu.iota {dimensions = array<i32: 1>} : vector<1024x784xi32>
    %reduce_min3A = arith.constant dense<0x7F800000> : vector<1024xf32>
    %reduce_min3A_2 = vector.multi_reduction <minimumf>, %get3A_1, %reduce_min3A [1] : vector<1024x784xf32> to vector<1024xf32>
    %broadcast_in_dim3A = vector.shape_cast %reduce_min3A_2 : vector<1024xf32> to vector<1024x1xf32>
    %eq3A = vector.broadcast %broadcast_in_dim3A : vector<1024x1xf32> to vector<1024x784xf32>
    %eq3A_3 = arith.cmpf oeq, %get3A_1, %eq3A : vector<1024x784xf32>
    %jit3A = arith.constant 1073741824 : i32
    %broadcast_in_dim3A_4 = vector.broadcast %jit3A : i32 to vector<1024x784xi32>
    %select_n3A = arith.select %eq3A_3, %iota3A, %broadcast_in_dim3A_4 : vector<1024x784xi1>, vector<1024x784xi32>
    %reduce_min3A_5 = arith.constant dense<2147483647> : vector<1024xi32>
    %reduce_min3A_6 = vector.multi_reduction <minsi>, %select_n3A, %reduce_min3A_5 [1] : vector<1024x784xi32> to vector<1024xi32>
    %broadcast_in_dim3A_7 = vector.shape_cast %reduce_min3A_6 : vector<1024xi32> to vector<1024x1xi32>
    %eq3A_8 = vector.broadcast %broadcast_in_dim3A_7 : vector<1024x1xi32> to vector<1024x784xi32>
    %eq3A_9 = arith.cmpi eq, %iota3A, %eq3A_8 : vector<1024x784xi32>
    %jit3A_10 = arith.constant 0x7F800000 : f32
    %broadcast_in_dim3A_11 = vector.broadcast %jit3A_10 : f32 to vector<1024x784xf32>
    %select_n3A_12 = arith.select %eq3A_9, %broadcast_in_dim3A_11, %get3A_1 : vector<1024x784xi1>, vector<1024x784xf32>
    %reduce_min3A_13 = arith.constant dense<0x7F800000> : vector<1024xf32>
    %reduce_min3A_14 = vector.multi_reduction <minimumf>, %select_n3A_12, %reduce_min3A_13 [1] : vector<1024x784xf32> to vector<1024xf32>
    %broadcast_in_dim3A_15 = vector.shape_cast %reduce_min3A_14 : vector<1024xf32> to vector<1024x1xf32>
    %eq3A_16 = vector.broadcast %broadcast_in_dim3A_15 : vector<1024x1xf32> to vector<1024x784xf32>
    %eq3A_17 = arith.cmpf oeq, %select_n3A_12, %eq3A_16 : vector<1024x784xf32>
    %jit3A_18 = arith.constant 1073741824 : i32
    %broadcast_in_dim3A_19 = vector.broadcast %jit3A_18 : i32 to vector<1024x784xi32>
    %select_n3A_20 = arith.select %eq3A_17, %iota3A, %broadcast_in_dim3A_19 : vector<1024x784xi1>, vector<1024x784xi32>
    %reduce_min3A_21 = arith.constant dense<2147483647> : vector<1024xi32>
    %reduce_min3A_22 = vector.multi_reduction <minsi>, %select_n3A_20, %reduce_min3A_21 [1] : vector<1024x784xi32> to vector<1024xi32>
    %broadcast_in_dim3A_23 = vector.shape_cast %reduce_min3A_22 : vector<1024xi32> to vector<1024x1xi32>
    %eq3A_24 = vector.broadcast %broadcast_in_dim3A_23 : vector<1024x1xi32> to vector<1024x784xi32>
    %eq3A_25 = arith.cmpi eq, %iota3A, %eq3A_24 : vector<1024x784xi32>
    %jit3A_26 = arith.constant 0x7F800000 : f32
    %broadcast_in_dim3A_27 = vector.broadcast %jit3A_26 : f32 to vector<1024x784xf32>
    %select_n3A_28 = arith.select %eq3A_25, %broadcast_in_dim3A_27, %select_n3A_12 : vector<1024x784xi1>, vector<1024x784xf32>
    %reduce_min3A_29 = arith.constant dense<0x7F800000> : vector<1024xf32>
    %reduce_min3A_30 = vector.multi_reduction <minimumf>, %select_n3A_28, %reduce_min3A_29 [1] : vector<1024x784xf32> to vector<1024xf32>
    %broadcast_in_dim3A_31 = vector.shape_cast %reduce_min3A_30 : vector<1024xf32> to vector<1024x1xf32>
    %eq3A_32 = vector.broadcast %broadcast_in_dim3A_31 : vector<1024x1xf32> to vector<1024x784xf32>
    %eq3A_33 = arith.cmpf oeq, %select_n3A_28, %eq3A_32 : vector<1024x784xf32>
    %jit3A_34 = arith.constant 1073741824 : i32
    %broadcast_in_dim3A_35 = vector.broadcast %jit3A_34 : i32 to vector<1024x784xi32>
    %select_n3A_36 = arith.select %eq3A_33, %iota3A, %broadcast_in_dim3A_35 : vector<1024x784xi1>, vector<1024x784xi32>
    %reduce_min3A_37 = arith.constant dense<2147483647> : vector<1024xi32>
    %reduce_min3A_38 = vector.multi_reduction <minsi>, %select_n3A_36, %reduce_min3A_37 [1] : vector<1024x784xi32> to vector<1024xi32>
    %broadcast_in_dim3A_39 = vector.shape_cast %reduce_min3A_38 : vector<1024xi32> to vector<1024x1xi32>
    %eq3A_40 = vector.broadcast %broadcast_in_dim3A_39 : vector<1024x1xi32> to vector<1024x784xi32>
    %eq3A_41 = arith.cmpi eq, %iota3A, %eq3A_40 : vector<1024x784xi32>
    %jit3A_42 = arith.constant 0x7F800000 : f32
    %broadcast_in_dim3A_43 = vector.broadcast %jit3A_42 : f32 to vector<1024x784xf32>
    %select_n3A_44 = arith.select %eq3A_41, %broadcast_in_dim3A_43, %select_n3A_28 : vector<1024x784xi1>, vector<1024x784xf32>
    %reduce_min3A_45 = arith.constant dense<0x7F800000> : vector<1024xf32>
    %reduce_min3A_46 = vector.multi_reduction <minimumf>, %select_n3A_44, %reduce_min3A_45 [1] : vector<1024x784xf32> to vector<1024xf32>
    %broadcast_in_dim3A_47 = vector.shape_cast %reduce_min3A_46 : vector<1024xf32> to vector<1024x1xf32>
    %eq3A_48 = vector.broadcast %broadcast_in_dim3A_47 : vector<1024x1xf32> to vector<1024x784xf32>
    %eq3A_49 = arith.cmpf oeq, %select_n3A_44, %eq3A_48 : vector<1024x784xf32>
    %jit3A_50 = arith.constant 1073741824 : i32
    %broadcast_in_dim3A_51 = vector.broadcast %jit3A_50 : i32 to vector<1024x784xi32>
    %select_n3A_52 = arith.select %eq3A_49, %iota3A, %broadcast_in_dim3A_51 : vector<1024x784xi1>, vector<1024x784xi32>
    %reduce_min3A_53 = arith.constant dense<2147483647> : vector<1024xi32>
    %reduce_min3A_54 = vector.multi_reduction <minsi>, %select_n3A_52, %reduce_min3A_53 [1] : vector<1024x784xi32> to vector<1024xi32>
    %broadcast_in_dim3A_55 = vector.shape_cast %reduce_min3A_54 : vector<1024xi32> to vector<1024x1xi32>
    %eq3A_56 = vector.broadcast %broadcast_in_dim3A_55 : vector<1024x1xi32> to vector<1024x784xi32>
    %eq3A_57 = arith.cmpi eq, %iota3A, %eq3A_56 : vector<1024x784xi32>
    %jit3A_58 = arith.constant 0x7F800000 : f32
    %broadcast_in_dim3A_59 = vector.broadcast %jit3A_58 : f32 to vector<1024x784xf32>
    %select_n3A_60 = arith.select %eq3A_57, %broadcast_in_dim3A_59, %select_n3A_44 : vector<1024x784xi1>, vector<1024x784xf32>
    %reduce_min3A_61 = arith.constant dense<0x7F800000> : vector<1024xf32>
    %reduce_min3A_62 = vector.multi_reduction <minimumf>, %select_n3A_60, %reduce_min3A_61 [1] : vector<1024x784xf32> to vector<1024xf32>
    %broadcast_in_dim3A_63 = vector.shape_cast %reduce_min3A_62 : vector<1024xf32> to vector<1024x1xf32>
    %eq3A_64 = vector.broadcast %broadcast_in_dim3A_63 : vector<1024x1xf32> to vector<1024x784xf32>
    %eq3A_65 = arith.cmpf oeq, %select_n3A_60, %eq3A_64 : vector<1024x784xf32>
    %jit3A_66 = arith.constant 1073741824 : i32
    %broadcast_in_dim3A_67 = vector.broadcast %jit3A_66 : i32 to vector<1024x784xi32>
    %select_n3A_68 = arith.select %eq3A_65, %iota3A, %broadcast_in_dim3A_67 : vector<1024x784xi1>, vector<1024x784xi32>
    %reduce_min3A_69 = arith.constant dense<2147483647> : vector<1024xi32>
    %reduce_min3A_70 = vector.multi_reduction <minsi>, %select_n3A_68, %reduce_min3A_69 [1] : vector<1024x784xi32> to vector<1024xi32>
    %broadcast_in_dim3A_71 = vector.shape_cast %reduce_min3A_70 : vector<1024xi32> to vector<1024x1xi32>
    %eq3A_72 = vector.broadcast %broadcast_in_dim3A_71 : vector<1024x1xi32> to vector<1024x784xi32>
    %eq3A_73 = arith.cmpi eq, %iota3A, %eq3A_72 : vector<1024x784xi32>
    %jit3A_74 = arith.constant 0x7F800000 : f32
    %broadcast_in_dim3A_75 = vector.broadcast %jit3A_74 : f32 to vector<1024x784xf32>
    %select_n3A_76 = arith.select %eq3A_73, %broadcast_in_dim3A_75, %select_n3A_60 : vector<1024x784xi1>, vector<1024x784xf32>
    %reduce_min3A_77 = arith.constant dense<0x7F800000> : vector<1024xf32>
    %reduce_min3A_78 = vector.multi_reduction <minimumf>, %select_n3A_76, %reduce_min3A_77 [1] : vector<1024x784xf32> to vector<1024xf32>
    %broadcast_in_dim3A_79 = vector.shape_cast %reduce_min3A_78 : vector<1024xf32> to vector<1024x1xf32>
    %eq3A_80 = vector.broadcast %broadcast_in_dim3A_79 : vector<1024x1xf32> to vector<1024x784xf32>
    %eq3A_81 = arith.cmpf oeq, %select_n3A_76, %eq3A_80 : vector<1024x784xf32>
    %jit3A_82 = arith.constant 1073741824 : i32
    %broadcast_in_dim3A_83 = vector.broadcast %jit3A_82 : i32 to vector<1024x784xi32>
    %select_n3A_84 = arith.select %eq3A_81, %iota3A, %broadcast_in_dim3A_83 : vector<1024x784xi1>, vector<1024x784xi32>
    %reduce_min3A_85 = arith.constant dense<2147483647> : vector<1024xi32>
    %reduce_min3A_86 = vector.multi_reduction <minsi>, %select_n3A_84, %reduce_min3A_85 [1] : vector<1024x784xi32> to vector<1024xi32>
    %broadcast_in_dim3A_87 = vector.shape_cast %reduce_min3A_86 : vector<1024xi32> to vector<1024x1xi32>
    %eq3A_88 = vector.broadcast %broadcast_in_dim3A_87 : vector<1024x1xi32> to vector<1024x784xi32>
    %eq3A_89 = arith.cmpi eq, %iota3A, %eq3A_88 : vector<1024x784xi32>
    %jit3A_90 = arith.constant 0x7F800000 : f32
    %broadcast_in_dim3A_91 = vector.broadcast %jit3A_90 : f32 to vector<1024x784xf32>
    %select_n3A_92 = arith.select %eq3A_89, %broadcast_in_dim3A_91, %select_n3A_76 : vector<1024x784xi1>, vector<1024x784xf32>
    %reduce_min3A_93 = arith.constant dense<0x7F800000> : vector<1024xf32>
    %reduce_min3A_94 = vector.multi_reduction <minimumf>, %select_n3A_92, %reduce_min3A_93 [1] : vector<1024x784xf32> to vector<1024xf32>
    %broadcast_in_dim3A_95 = vector.shape_cast %reduce_min3A_94 : vector<1024xf32> to vector<1024x1xf32>
    %eq3A_96 = vector.broadcast %broadcast_in_dim3A_95 : vector<1024x1xf32> to vector<1024x784xf32>
    %eq3A_97 = arith.cmpf oeq, %select_n3A_92, %eq3A_96 : vector<1024x784xf32>
    %jit3A_98 = arith.constant 1073741824 : i32
    %broadcast_in_dim3A_99 = vector.broadcast %jit3A_98 : i32 to vector<1024x784xi32>
    %select_n3A_100 = arith.select %eq3A_97, %iota3A, %broadcast_in_dim3A_99 : vector<1024x784xi1>, vector<1024x784xi32>
    %reduce_min3A_101 = arith.constant dense<2147483647> : vector<1024xi32>
    %reduce_min3A_102 = vector.multi_reduction <minsi>, %select_n3A_100, %reduce_min3A_101 [1] : vector<1024x784xi32> to vector<1024xi32>
    %broadcast_in_dim3A_103 = vector.shape_cast %reduce_min3A_102 : vector<1024xi32> to vector<1024x1xi32>
    %eq3A_104 = vector.broadcast %broadcast_in_dim3A_103 : vector<1024x1xi32> to vector<1024x784xi32>
    %eq3A_105 = arith.cmpi eq, %iota3A, %eq3A_104 : vector<1024x784xi32>
    %jit3A_106 = arith.constant 0x7F800000 : f32
    %broadcast_in_dim3A_107 = vector.broadcast %jit3A_106 : f32 to vector<1024x784xf32>
    %select_n3A_108 = arith.select %eq3A_105, %broadcast_in_dim3A_107, %select_n3A_92 : vector<1024x784xi1>, vector<1024x784xf32>
    %reduce_min3A_109 = arith.constant dense<0x7F800000> : vector<1024xf32>
    %reduce_min3A_110 = vector.multi_reduction <minimumf>, %select_n3A_108, %reduce_min3A_109 [1] : vector<1024x784xf32> to vector<1024xf32>
    %broadcast_in_dim3A_111 = vector.shape_cast %reduce_min3A_110 : vector<1024xf32> to vector<1024x1xf32>
    %eq3A_112 = vector.broadcast %broadcast_in_dim3A_111 : vector<1024x1xf32> to vector<1024x784xf32>
    %eq3A_113 = arith.cmpf oeq, %select_n3A_108, %eq3A_112 : vector<1024x784xf32>
    %jit3A_114 = arith.constant 1073741824 : i32
    %broadcast_in_dim3A_115 = vector.broadcast %jit3A_114 : i32 to vector<1024x784xi32>
    %select_n3A_116 = arith.select %eq3A_113, %iota3A, %broadcast_in_dim3A_115 : vector<1024x784xi1>, vector<1024x784xi32>
    %reduce_min3A_117 = arith.constant dense<2147483647> : vector<1024xi32>
    %reduce_min3A_118 = vector.multi_reduction <minsi>, %select_n3A_116, %reduce_min3A_117 [1] : vector<1024x784xi32> to vector<1024xi32>
    %broadcast_in_dim3A_119 = vector.shape_cast %reduce_min3A_118 : vector<1024xi32> to vector<1024x1xi32>
    %eq3A_120 = vector.broadcast %broadcast_in_dim3A_119 : vector<1024x1xi32> to vector<1024x784xi32>
    %eq3A_121 = arith.cmpi eq, %iota3A, %eq3A_120 : vector<1024x784xi32>
    %jit3A_122 = arith.constant 0x7F800000 : f32
    %broadcast_in_dim3A_123 = vector.broadcast %jit3A_122 : f32 to vector<1024x784xf32>
    %select_n3A_124 = arith.select %eq3A_121, %broadcast_in_dim3A_123, %select_n3A_108 : vector<1024x784xi1>, vector<1024x784xf32>
    %reduce_min3A_125 = arith.constant dense<0x7F800000> : vector<1024xf32>
    %reduce_min3A_126 = vector.multi_reduction <minimumf>, %select_n3A_124, %reduce_min3A_125 [1] : vector<1024x784xf32> to vector<1024xf32>
    %broadcast_in_dim3A_127 = vector.shape_cast %reduce_min3A_126 : vector<1024xf32> to vector<1024x1xf32>
    %eq3A_128 = vector.broadcast %broadcast_in_dim3A_127 : vector<1024x1xf32> to vector<1024x784xf32>
    %eq3A_129 = arith.cmpf oeq, %select_n3A_124, %eq3A_128 : vector<1024x784xf32>
    %jit3A_130 = arith.constant 1073741824 : i32
    %broadcast_in_dim3A_131 = vector.broadcast %jit3A_130 : i32 to vector<1024x784xi32>
    %select_n3A_132 = arith.select %eq3A_129, %iota3A, %broadcast_in_dim3A_131 : vector<1024x784xi1>, vector<1024x784xi32>
    %reduce_min3A_133 = arith.constant dense<2147483647> : vector<1024xi32>
    %reduce_min3A_134 = vector.multi_reduction <minsi>, %select_n3A_132, %reduce_min3A_133 [1] : vector<1024x784xi32> to vector<1024xi32>
    %broadcast_in_dim3A_135 = vector.shape_cast %reduce_min3A_134 : vector<1024xi32> to vector<1024x1xi32>
    %eq3A_136 = vector.broadcast %broadcast_in_dim3A_135 : vector<1024x1xi32> to vector<1024x784xi32>
    %eq3A_137 = arith.cmpi eq, %iota3A, %eq3A_136 : vector<1024x784xi32>
    %jit3A_138 = arith.constant 0x7F800000 : f32
    %broadcast_in_dim3A_139 = vector.broadcast %jit3A_138 : f32 to vector<1024x784xf32>
    %select_n3A_140 = arith.select %eq3A_137, %broadcast_in_dim3A_139, %select_n3A_124 : vector<1024x784xi1>, vector<1024x784xf32>
    %reduce_min3A_141 = arith.constant dense<0x7F800000> : vector<1024xf32>
    %reduce_min3A_142 = vector.multi_reduction <minimumf>, %select_n3A_140, %reduce_min3A_141 [1] : vector<1024x784xf32> to vector<1024xf32>
    %broadcast_in_dim3A_143 = vector.shape_cast %reduce_min3A_142 : vector<1024xf32> to vector<1024x1xf32>
    %eq3A_144 = vector.broadcast %broadcast_in_dim3A_143 : vector<1024x1xf32> to vector<1024x784xf32>
    %eq3A_145 = arith.cmpf oeq, %select_n3A_140, %eq3A_144 : vector<1024x784xf32>
    %jit3A_146 = arith.constant 1073741824 : i32
    %broadcast_in_dim3A_147 = vector.broadcast %jit3A_146 : i32 to vector<1024x784xi32>
    %select_n3A_148 = arith.select %eq3A_145, %iota3A, %broadcast_in_dim3A_147 : vector<1024x784xi1>, vector<1024x784xi32>
    %reduce_min3A_149 = arith.constant dense<2147483647> : vector<1024xi32>
    %reduce_min3A_150 = vector.multi_reduction <minsi>, %select_n3A_148, %reduce_min3A_149 [1] : vector<1024x784xi32> to vector<1024xi32>
    %broadcast_in_dim3A_151 = vector.shape_cast %reduce_min3A_150 : vector<1024xi32> to vector<1024x1xi32>
    %eq3A_152 = vector.broadcast %broadcast_in_dim3A_151 : vector<1024x1xi32> to vector<1024x784xi32>
    %eq3A_153 = arith.cmpi eq, %iota3A, %eq3A_152 : vector<1024x784xi32>
    %jit3A_154 = arith.constant 0x7F800000 : f32
    %broadcast_in_dim3A_155 = vector.broadcast %jit3A_154 : f32 to vector<1024x784xf32>
    %select_n3A_156 = arith.select %eq3A_153, %broadcast_in_dim3A_155, %select_n3A_140 : vector<1024x784xi1>, vector<1024x784xf32>
    %reduce_min3A_157 = arith.constant dense<0x7F800000> : vector<1024xf32>
    %reduce_min3A_158 = vector.multi_reduction <minimumf>, %select_n3A_156, %reduce_min3A_157 [1] : vector<1024x784xf32> to vector<1024xf32>
    %broadcast_in_dim3A_159 = vector.shape_cast %reduce_min3A_158 : vector<1024xf32> to vector<1024x1xf32>
    %eq3A_160 = vector.broadcast %broadcast_in_dim3A_159 : vector<1024x1xf32> to vector<1024x784xf32>
    %eq3A_161 = arith.cmpf oeq, %select_n3A_156, %eq3A_160 : vector<1024x784xf32>
    %jit3A_162 = arith.constant 1073741824 : i32
    %broadcast_in_dim3A_163 = vector.broadcast %jit3A_162 : i32 to vector<1024x784xi32>
    %select_n3A_164 = arith.select %eq3A_161, %iota3A, %broadcast_in_dim3A_163 : vector<1024x784xi1>, vector<1024x784xi32>
    %reduce_min3A_165 = arith.constant dense<2147483647> : vector<1024xi32>
    %reduce_min3A_166 = vector.multi_reduction <minsi>, %select_n3A_164, %reduce_min3A_165 [1] : vector<1024x784xi32> to vector<1024xi32>
    %broadcast_in_dim3A_167 = vector.shape_cast %reduce_min3A_166 : vector<1024xi32> to vector<1024x1xi32>
    %eq3A_168 = vector.broadcast %broadcast_in_dim3A_167 : vector<1024x1xi32> to vector<1024x784xi32>
    %eq3A_169 = arith.cmpi eq, %iota3A, %eq3A_168 : vector<1024x784xi32>
    %jit3A_170 = arith.constant 0x7F800000 : f32
    %broadcast_in_dim3A_171 = vector.broadcast %jit3A_170 : f32 to vector<1024x784xf32>
    %select_n3A_172 = arith.select %eq3A_169, %broadcast_in_dim3A_171, %select_n3A_156 : vector<1024x784xi1>, vector<1024x784xf32>
    %reduce_min3A_173 = arith.constant dense<0x7F800000> : vector<1024xf32>
    %reduce_min3A_174 = vector.multi_reduction <minimumf>, %select_n3A_172, %reduce_min3A_173 [1] : vector<1024x784xf32> to vector<1024xf32>
    %broadcast_in_dim3A_175 = vector.shape_cast %reduce_min3A_174 : vector<1024xf32> to vector<1024x1xf32>
    %eq3A_176 = vector.broadcast %broadcast_in_dim3A_175 : vector<1024x1xf32> to vector<1024x784xf32>
    %eq3A_177 = arith.cmpf oeq, %select_n3A_172, %eq3A_176 : vector<1024x784xf32>
    %jit3A_178 = arith.constant 1073741824 : i32
    %broadcast_in_dim3A_179 = vector.broadcast %jit3A_178 : i32 to vector<1024x784xi32>
    %select_n3A_180 = arith.select %eq3A_177, %iota3A, %broadcast_in_dim3A_179 : vector<1024x784xi1>, vector<1024x784xi32>
    %reduce_min3A_181 = arith.constant dense<2147483647> : vector<1024xi32>
    %reduce_min3A_182 = vector.multi_reduction <minsi>, %select_n3A_180, %reduce_min3A_181 [1] : vector<1024x784xi32> to vector<1024xi32>
    %broadcast_in_dim3A_183 = vector.shape_cast %reduce_min3A_182 : vector<1024xi32> to vector<1024x1xi32>
    %eq3A_184 = vector.broadcast %broadcast_in_dim3A_183 : vector<1024x1xi32> to vector<1024x784xi32>
    %eq3A_185 = arith.cmpi eq, %iota3A, %eq3A_184 : vector<1024x784xi32>
    %jit3A_186 = arith.constant 0x7F800000 : f32
    %broadcast_in_dim3A_187 = vector.broadcast %jit3A_186 : f32 to vector<1024x784xf32>
    %select_n3A_188 = arith.select %eq3A_185, %broadcast_in_dim3A_187, %select_n3A_172 : vector<1024x784xi1>, vector<1024x784xf32>
    %reduce_min3A_189 = arith.constant dense<0x7F800000> : vector<1024xf32>
    %reduce_min3A_190 = vector.multi_reduction <minimumf>, %select_n3A_188, %reduce_min3A_189 [1] : vector<1024x784xf32> to vector<1024xf32>
    %broadcast_in_dim3A_191 = vector.shape_cast %reduce_min3A_190 : vector<1024xf32> to vector<1024x1xf32>
    %eq3A_192 = vector.broadcast %broadcast_in_dim3A_191 : vector<1024x1xf32> to vector<1024x784xf32>
    %eq3A_193 = arith.cmpf oeq, %select_n3A_188, %eq3A_192 : vector<1024x784xf32>
    %jit3A_194 = arith.constant 1073741824 : i32
    %broadcast_in_dim3A_195 = vector.broadcast %jit3A_194 : i32 to vector<1024x784xi32>
    %select_n3A_196 = arith.select %eq3A_193, %iota3A, %broadcast_in_dim3A_195 : vector<1024x784xi1>, vector<1024x784xi32>
    %reduce_min3A_197 = arith.constant dense<2147483647> : vector<1024xi32>
    %reduce_min3A_198 = vector.multi_reduction <minsi>, %select_n3A_196, %reduce_min3A_197 [1] : vector<1024x784xi32> to vector<1024xi32>
    %broadcast_in_dim3A_199 = vector.shape_cast %reduce_min3A_198 : vector<1024xi32> to vector<1024x1xi32>
    %eq3A_200 = vector.broadcast %broadcast_in_dim3A_199 : vector<1024x1xi32> to vector<1024x784xi32>
    %eq3A_201 = arith.cmpi eq, %iota3A, %eq3A_200 : vector<1024x784xi32>
    %jit3A_202 = arith.constant 0x7F800000 : f32
    %broadcast_in_dim3A_203 = vector.broadcast %jit3A_202 : f32 to vector<1024x784xf32>
    %select_n3A_204 = arith.select %eq3A_201, %broadcast_in_dim3A_203, %select_n3A_188 : vector<1024x784xi1>, vector<1024x784xf32>
    %reduce_min3A_205 = arith.constant dense<0x7F800000> : vector<1024xf32>
    %reduce_min3A_206 = vector.multi_reduction <minimumf>, %select_n3A_204, %reduce_min3A_205 [1] : vector<1024x784xf32> to vector<1024xf32>
    %broadcast_in_dim3A_207 = vector.shape_cast %reduce_min3A_206 : vector<1024xf32> to vector<1024x1xf32>
    %eq3A_208 = vector.broadcast %broadcast_in_dim3A_207 : vector<1024x1xf32> to vector<1024x784xf32>
    %eq3A_209 = arith.cmpf oeq, %select_n3A_204, %eq3A_208 : vector<1024x784xf32>
    %jit3A_210 = arith.constant 1073741824 : i32
    %broadcast_in_dim3A_211 = vector.broadcast %jit3A_210 : i32 to vector<1024x784xi32>
    %select_n3A_212 = arith.select %eq3A_209, %iota3A, %broadcast_in_dim3A_211 : vector<1024x784xi1>, vector<1024x784xi32>
    %reduce_min3A_213 = arith.constant dense<2147483647> : vector<1024xi32>
    %reduce_min3A_214 = vector.multi_reduction <minsi>, %select_n3A_212, %reduce_min3A_213 [1] : vector<1024x784xi32> to vector<1024xi32>
    %broadcast_in_dim3A_215 = vector.shape_cast %reduce_min3A_214 : vector<1024xi32> to vector<1024x1xi32>
    %eq3A_216 = vector.broadcast %broadcast_in_dim3A_215 : vector<1024x1xi32> to vector<1024x784xi32>
    %eq3A_217 = arith.cmpi eq, %iota3A, %eq3A_216 : vector<1024x784xi32>
    %jit3A_218 = arith.constant 0x7F800000 : f32
    %broadcast_in_dim3A_219 = vector.broadcast %jit3A_218 : f32 to vector<1024x784xf32>
    %select_n3A_220 = arith.select %eq3A_217, %broadcast_in_dim3A_219, %select_n3A_204 : vector<1024x784xi1>, vector<1024x784xf32>
    %reduce_min3A_221 = arith.constant dense<0x7F800000> : vector<1024xf32>
    %reduce_min3A_222 = vector.multi_reduction <minimumf>, %select_n3A_220, %reduce_min3A_221 [1] : vector<1024x784xf32> to vector<1024xf32>
    %broadcast_in_dim3A_223 = vector.shape_cast %reduce_min3A_222 : vector<1024xf32> to vector<1024x1xf32>
    %eq3A_224 = vector.broadcast %broadcast_in_dim3A_223 : vector<1024x1xf32> to vector<1024x784xf32>
    %eq3A_225 = arith.cmpf oeq, %select_n3A_220, %eq3A_224 : vector<1024x784xf32>
    %jit3A_226 = arith.constant 1073741824 : i32
    %broadcast_in_dim3A_227 = vector.broadcast %jit3A_226 : i32 to vector<1024x784xi32>
    %select_n3A_228 = arith.select %eq3A_225, %iota3A, %broadcast_in_dim3A_227 : vector<1024x784xi1>, vector<1024x784xi32>
    %reduce_min3A_229 = arith.constant dense<2147483647> : vector<1024xi32>
    %reduce_min3A_230 = vector.multi_reduction <minsi>, %select_n3A_228, %reduce_min3A_229 [1] : vector<1024x784xi32> to vector<1024xi32>
    %broadcast_in_dim3A_231 = vector.shape_cast %reduce_min3A_230 : vector<1024xi32> to vector<1024x1xi32>
    %eq3A_232 = vector.broadcast %broadcast_in_dim3A_231 : vector<1024x1xi32> to vector<1024x784xi32>
    %eq3A_233 = arith.cmpi eq, %iota3A, %eq3A_232 : vector<1024x784xi32>
    %jit3A_234 = arith.constant 0x7F800000 : f32
    %broadcast_in_dim3A_235 = vector.broadcast %jit3A_234 : f32 to vector<1024x784xf32>
    %select_n3A_236 = arith.select %eq3A_233, %broadcast_in_dim3A_235, %select_n3A_220 : vector<1024x784xi1>, vector<1024x784xf32>
    %reduce_min3A_237 = arith.constant dense<0x7F800000> : vector<1024xf32>
    %reduce_min3A_238 = vector.multi_reduction <minimumf>, %select_n3A_236, %reduce_min3A_237 [1] : vector<1024x784xf32> to vector<1024xf32>
    %broadcast_in_dim3A_239 = vector.shape_cast %reduce_min3A_238 : vector<1024xf32> to vector<1024x1xf32>
    %eq3A_240 = vector.broadcast %broadcast_in_dim3A_239 : vector<1024x1xf32> to vector<1024x784xf32>
    %eq3A_241 = arith.cmpf oeq, %select_n3A_236, %eq3A_240 : vector<1024x784xf32>
    %jit3A_242 = arith.constant 1073741824 : i32
    %broadcast_in_dim3A_243 = vector.broadcast %jit3A_242 : i32 to vector<1024x784xi32>
    %select_n3A_244 = arith.select %eq3A_241, %iota3A, %broadcast_in_dim3A_243 : vector<1024x784xi1>, vector<1024x784xi32>
    %reduce_min3A_245 = arith.constant dense<2147483647> : vector<1024xi32>
    %reduce_min3A_246 = vector.multi_reduction <minsi>, %select_n3A_244, %reduce_min3A_245 [1] : vector<1024x784xi32> to vector<1024xi32>
    %broadcast_in_dim3A_247 = vector.shape_cast %reduce_min3A_246 : vector<1024xi32> to vector<1024x1xi32>
    %eq3A_248 = vector.broadcast %broadcast_in_dim3A_247 : vector<1024x1xi32> to vector<1024x784xi32>
    %eq3A_249 = arith.cmpi eq, %iota3A, %eq3A_248 : vector<1024x784xi32>
    %jit3A_250 = arith.constant 0x7F800000 : f32
    %broadcast_in_dim3A_251 = vector.broadcast %jit3A_250 : f32 to vector<1024x784xf32>
    %select_n3A_252 = arith.select %eq3A_249, %broadcast_in_dim3A_251, %select_n3A_236 : vector<1024x784xi1>, vector<1024x784xf32>
    %reduce_min3A_253 = arith.constant dense<0x7F800000> : vector<1024xf32>
    %reduce_min3A_254 = vector.multi_reduction <minimumf>, %select_n3A_252, %reduce_min3A_253 [1] : vector<1024x784xf32> to vector<1024xf32>
    %broadcast_in_dim3A_255 = vector.shape_cast %reduce_min3A_254 : vector<1024xf32> to vector<1024x1xf32>
    %eq3A_256 = vector.broadcast %broadcast_in_dim3A_255 : vector<1024x1xf32> to vector<1024x784xf32>
    %eq3A_257 = arith.cmpf oeq, %select_n3A_252, %eq3A_256 : vector<1024x784xf32>
    %jit3A_258 = arith.constant 1073741824 : i32
    %broadcast_in_dim3A_259 = vector.broadcast %jit3A_258 : i32 to vector<1024x784xi32>
    %select_n3A_260 = arith.select %eq3A_257, %iota3A, %broadcast_in_dim3A_259 : vector<1024x784xi1>, vector<1024x784xi32>
    %reduce_min3A_261 = arith.constant dense<2147483647> : vector<1024xi32>
    %reduce_min3A_262 = vector.multi_reduction <minsi>, %select_n3A_260, %reduce_min3A_261 [1] : vector<1024x784xi32> to vector<1024xi32>
    %broadcast_in_dim3A_263 = vector.shape_cast %reduce_min3A_262 : vector<1024xi32> to vector<1024x1xi32>
    %eq3A_264 = vector.broadcast %broadcast_in_dim3A_263 : vector<1024x1xi32> to vector<1024x784xi32>
    %eq3A_265 = arith.cmpi eq, %iota3A, %eq3A_264 : vector<1024x784xi32>
    %jit3A_266 = arith.constant 0x7F800000 : f32
    %broadcast_in_dim3A_267 = vector.broadcast %jit3A_266 : f32 to vector<1024x784xf32>
    %select_n3A_268 = arith.select %eq3A_265, %broadcast_in_dim3A_267, %select_n3A_252 : vector<1024x784xi1>, vector<1024x784xf32>
    %reduce_min3A_269 = arith.constant dense<0x7F800000> : vector<1024xf32>
    %reduce_min3A_270 = vector.multi_reduction <minimumf>, %select_n3A_268, %reduce_min3A_269 [1] : vector<1024x784xf32> to vector<1024xf32>
    %broadcast_in_dim3A_271 = vector.shape_cast %reduce_min3A_270 : vector<1024xf32> to vector<1024x1xf32>
    %eq3A_272 = vector.broadcast %broadcast_in_dim3A_271 : vector<1024x1xf32> to vector<1024x784xf32>
    %eq3A_273 = arith.cmpf oeq, %select_n3A_268, %eq3A_272 : vector<1024x784xf32>
    %jit3A_274 = arith.constant 1073741824 : i32
    %broadcast_in_dim3A_275 = vector.broadcast %jit3A_274 : i32 to vector<1024x784xi32>
    %select_n3A_276 = arith.select %eq3A_273, %iota3A, %broadcast_in_dim3A_275 : vector<1024x784xi1>, vector<1024x784xi32>
    %reduce_min3A_277 = arith.constant dense<2147483647> : vector<1024xi32>
    %reduce_min3A_278 = vector.multi_reduction <minsi>, %select_n3A_276, %reduce_min3A_277 [1] : vector<1024x784xi32> to vector<1024xi32>
    %broadcast_in_dim3A_279 = vector.shape_cast %reduce_min3A_278 : vector<1024xi32> to vector<1024x1xi32>
    %eq3A_280 = vector.broadcast %broadcast_in_dim3A_279 : vector<1024x1xi32> to vector<1024x784xi32>
    %eq3A_281 = arith.cmpi eq, %iota3A, %eq3A_280 : vector<1024x784xi32>
    %jit3A_282 = arith.constant 0x7F800000 : f32
    %broadcast_in_dim3A_283 = vector.broadcast %jit3A_282 : f32 to vector<1024x784xf32>
    %select_n3A_284 = arith.select %eq3A_281, %broadcast_in_dim3A_283, %select_n3A_268 : vector<1024x784xi1>, vector<1024x784xf32>
    %reduce_min3A_285 = arith.constant dense<0x7F800000> : vector<1024xf32>
    %reduce_min3A_286 = vector.multi_reduction <minimumf>, %select_n3A_284, %reduce_min3A_285 [1] : vector<1024x784xf32> to vector<1024xf32>
    %broadcast_in_dim3A_287 = vector.shape_cast %reduce_min3A_286 : vector<1024xf32> to vector<1024x1xf32>
    %eq3A_288 = vector.broadcast %broadcast_in_dim3A_287 : vector<1024x1xf32> to vector<1024x784xf32>
    %eq3A_289 = arith.cmpf oeq, %select_n3A_284, %eq3A_288 : vector<1024x784xf32>
    %jit3A_290 = arith.constant 1073741824 : i32
    %broadcast_in_dim3A_291 = vector.broadcast %jit3A_290 : i32 to vector<1024x784xi32>
    %select_n3A_292 = arith.select %eq3A_289, %iota3A, %broadcast_in_dim3A_291 : vector<1024x784xi1>, vector<1024x784xi32>
    %reduce_min3A_293 = arith.constant dense<2147483647> : vector<1024xi32>
    %reduce_min3A_294 = vector.multi_reduction <minsi>, %select_n3A_292, %reduce_min3A_293 [1] : vector<1024x784xi32> to vector<1024xi32>
    %broadcast_in_dim3A_295 = vector.shape_cast %reduce_min3A_294 : vector<1024xi32> to vector<1024x1xi32>
    %eq3A_296 = vector.broadcast %broadcast_in_dim3A_295 : vector<1024x1xi32> to vector<1024x784xi32>
    %eq3A_297 = arith.cmpi eq, %iota3A, %eq3A_296 : vector<1024x784xi32>
    %jit3A_298 = arith.constant 0x7F800000 : f32
    %broadcast_in_dim3A_299 = vector.broadcast %jit3A_298 : f32 to vector<1024x784xf32>
    %select_n3A_300 = arith.select %eq3A_297, %broadcast_in_dim3A_299, %select_n3A_284 : vector<1024x784xi1>, vector<1024x784xf32>
    %reduce_min3A_301 = arith.constant dense<0x7F800000> : vector<1024xf32>
    %reduce_min3A_302 = vector.multi_reduction <minimumf>, %select_n3A_300, %reduce_min3A_301 [1] : vector<1024x784xf32> to vector<1024xf32>
    %broadcast_in_dim3A_303 = vector.shape_cast %reduce_min3A_302 : vector<1024xf32> to vector<1024x1xf32>
    %eq3A_304 = vector.broadcast %broadcast_in_dim3A_303 : vector<1024x1xf32> to vector<1024x784xf32>
    %eq3A_305 = arith.cmpf oeq, %select_n3A_300, %eq3A_304 : vector<1024x784xf32>
    %jit3A_306 = arith.constant 1073741824 : i32
    %broadcast_in_dim3A_307 = vector.broadcast %jit3A_306 : i32 to vector<1024x784xi32>
    %select_n3A_308 = arith.select %eq3A_305, %iota3A, %broadcast_in_dim3A_307 : vector<1024x784xi1>, vector<1024x784xi32>
    %reduce_min3A_309 = arith.constant dense<2147483647> : vector<1024xi32>
    %reduce_min3A_310 = vector.multi_reduction <minsi>, %select_n3A_308, %reduce_min3A_309 [1] : vector<1024x784xi32> to vector<1024xi32>
    %broadcast_in_dim3A_311 = vector.shape_cast %reduce_min3A_310 : vector<1024xi32> to vector<1024x1xi32>
    %eq3A_312 = vector.broadcast %broadcast_in_dim3A_311 : vector<1024x1xi32> to vector<1024x784xi32>
    %eq3A_313 = arith.cmpi eq, %iota3A, %eq3A_312 : vector<1024x784xi32>
    %jit3A_314 = arith.constant 0x7F800000 : f32
    %broadcast_in_dim3A_315 = vector.broadcast %jit3A_314 : f32 to vector<1024x784xf32>
    %select_n3A_316 = arith.select %eq3A_313, %broadcast_in_dim3A_315, %select_n3A_300 : vector<1024x784xi1>, vector<1024x784xf32>
    %reduce_min3A_317 = arith.constant dense<0x7F800000> : vector<1024xf32>
    %reduce_min3A_318 = vector.multi_reduction <minimumf>, %select_n3A_316, %reduce_min3A_317 [1] : vector<1024x784xf32> to vector<1024xf32>
    %broadcast_in_dim3A_319 = vector.shape_cast %reduce_min3A_318 : vector<1024xf32> to vector<1024x1xf32>
    %eq3A_320 = vector.broadcast %broadcast_in_dim3A_319 : vector<1024x1xf32> to vector<1024x784xf32>
    %eq3A_321 = arith.cmpf oeq, %select_n3A_316, %eq3A_320 : vector<1024x784xf32>
    %jit3A_322 = arith.constant 1073741824 : i32
    %broadcast_in_dim3A_323 = vector.broadcast %jit3A_322 : i32 to vector<1024x784xi32>
    %select_n3A_324 = arith.select %eq3A_321, %iota3A, %broadcast_in_dim3A_323 : vector<1024x784xi1>, vector<1024x784xi32>
    %reduce_min3A_325 = arith.constant dense<2147483647> : vector<1024xi32>
    %reduce_min3A_326 = vector.multi_reduction <minsi>, %select_n3A_324, %reduce_min3A_325 [1] : vector<1024x784xi32> to vector<1024xi32>
    %broadcast_in_dim3A_327 = vector.shape_cast %reduce_min3A_326 : vector<1024xi32> to vector<1024x1xi32>
    %eq3A_328 = vector.broadcast %broadcast_in_dim3A_327 : vector<1024x1xi32> to vector<1024x784xi32>
    %eq3A_329 = arith.cmpi eq, %iota3A, %eq3A_328 : vector<1024x784xi32>
    %jit3A_330 = arith.constant 0x7F800000 : f32
    %broadcast_in_dim3A_331 = vector.broadcast %jit3A_330 : f32 to vector<1024x784xf32>
    %select_n3A_332 = arith.select %eq3A_329, %broadcast_in_dim3A_331, %select_n3A_316 : vector<1024x784xi1>, vector<1024x784xf32>
    %reduce_min3A_333 = arith.constant dense<0x7F800000> : vector<1024xf32>
    %reduce_min3A_334 = vector.multi_reduction <minimumf>, %select_n3A_332, %reduce_min3A_333 [1] : vector<1024x784xf32> to vector<1024xf32>
    %broadcast_in_dim3A_335 = vector.shape_cast %reduce_min3A_334 : vector<1024xf32> to vector<1024x1xf32>
    %eq3A_336 = vector.broadcast %broadcast_in_dim3A_335 : vector<1024x1xf32> to vector<1024x784xf32>
    %eq3A_337 = arith.cmpf oeq, %select_n3A_332, %eq3A_336 : vector<1024x784xf32>
    %jit3A_338 = arith.constant 1073741824 : i32
    %broadcast_in_dim3A_339 = vector.broadcast %jit3A_338 : i32 to vector<1024x784xi32>
    %select_n3A_340 = arith.select %eq3A_337, %iota3A, %broadcast_in_dim3A_339 : vector<1024x784xi1>, vector<1024x784xi32>
    %reduce_min3A_341 = arith.constant dense<2147483647> : vector<1024xi32>
    %reduce_min3A_342 = vector.multi_reduction <minsi>, %select_n3A_340, %reduce_min3A_341 [1] : vector<1024x784xi32> to vector<1024xi32>
    %broadcast_in_dim3A_343 = vector.shape_cast %reduce_min3A_342 : vector<1024xi32> to vector<1024x1xi32>
    %eq3A_344 = vector.broadcast %broadcast_in_dim3A_343 : vector<1024x1xi32> to vector<1024x784xi32>
    %eq3A_345 = arith.cmpi eq, %iota3A, %eq3A_344 : vector<1024x784xi32>
    %jit3A_346 = arith.constant 0x7F800000 : f32
    %broadcast_in_dim3A_347 = vector.broadcast %jit3A_346 : f32 to vector<1024x784xf32>
    %select_n3A_348 = arith.select %eq3A_345, %broadcast_in_dim3A_347, %select_n3A_332 : vector<1024x784xi1>, vector<1024x784xf32>
    %reduce_min3A_349 = arith.constant dense<0x7F800000> : vector<1024xf32>
    %reduce_min3A_350 = vector.multi_reduction <minimumf>, %select_n3A_348, %reduce_min3A_349 [1] : vector<1024x784xf32> to vector<1024xf32>
    %broadcast_in_dim3A_351 = vector.shape_cast %reduce_min3A_350 : vector<1024xf32> to vector<1024x1xf32>
    %eq3A_352 = vector.broadcast %broadcast_in_dim3A_351 : vector<1024x1xf32> to vector<1024x784xf32>
    %eq3A_353 = arith.cmpf oeq, %select_n3A_348, %eq3A_352 : vector<1024x784xf32>
    %jit3A_354 = arith.constant 1073741824 : i32
    %broadcast_in_dim3A_355 = vector.broadcast %jit3A_354 : i32 to vector<1024x784xi32>
    %select_n3A_356 = arith.select %eq3A_353, %iota3A, %broadcast_in_dim3A_355 : vector<1024x784xi1>, vector<1024x784xi32>
    %reduce_min3A_357 = arith.constant dense<2147483647> : vector<1024xi32>
    %reduce_min3A_358 = vector.multi_reduction <minsi>, %select_n3A_356, %reduce_min3A_357 [1] : vector<1024x784xi32> to vector<1024xi32>
    %broadcast_in_dim3A_359 = vector.shape_cast %reduce_min3A_358 : vector<1024xi32> to vector<1024x1xi32>
    %eq3A_360 = vector.broadcast %broadcast_in_dim3A_359 : vector<1024x1xi32> to vector<1024x784xi32>
    %eq3A_361 = arith.cmpi eq, %iota3A, %eq3A_360 : vector<1024x784xi32>
    %jit3A_362 = arith.constant 0x7F800000 : f32
    %broadcast_in_dim3A_363 = vector.broadcast %jit3A_362 : f32 to vector<1024x784xf32>
    %select_n3A_364 = arith.select %eq3A_361, %broadcast_in_dim3A_363, %select_n3A_348 : vector<1024x784xi1>, vector<1024x784xf32>
    %reduce_min3A_365 = arith.constant dense<0x7F800000> : vector<1024xf32>
    %reduce_min3A_366 = vector.multi_reduction <minimumf>, %select_n3A_364, %reduce_min3A_365 [1] : vector<1024x784xf32> to vector<1024xf32>
    %broadcast_in_dim3A_367 = vector.shape_cast %reduce_min3A_366 : vector<1024xf32> to vector<1024x1xf32>
    %eq3A_368 = vector.broadcast %broadcast_in_dim3A_367 : vector<1024x1xf32> to vector<1024x784xf32>
    %eq3A_369 = arith.cmpf oeq, %select_n3A_364, %eq3A_368 : vector<1024x784xf32>
    %jit3A_370 = arith.constant 1073741824 : i32
    %broadcast_in_dim3A_371 = vector.broadcast %jit3A_370 : i32 to vector<1024x784xi32>
    %select_n3A_372 = arith.select %eq3A_369, %iota3A, %broadcast_in_dim3A_371 : vector<1024x784xi1>, vector<1024x784xi32>
    %reduce_min3A_373 = arith.constant dense<2147483647> : vector<1024xi32>
    %reduce_min3A_374 = vector.multi_reduction <minsi>, %select_n3A_372, %reduce_min3A_373 [1] : vector<1024x784xi32> to vector<1024xi32>
    %broadcast_in_dim3A_375 = vector.shape_cast %reduce_min3A_374 : vector<1024xi32> to vector<1024x1xi32>
    %eq3A_376 = vector.broadcast %broadcast_in_dim3A_375 : vector<1024x1xi32> to vector<1024x784xi32>
    %eq3A_377 = arith.cmpi eq, %iota3A, %eq3A_376 : vector<1024x784xi32>
    %jit3A_378 = arith.constant 0x7F800000 : f32
    %broadcast_in_dim3A_379 = vector.broadcast %jit3A_378 : f32 to vector<1024x784xf32>
    %select_n3A_380 = arith.select %eq3A_377, %broadcast_in_dim3A_379, %select_n3A_364 : vector<1024x784xi1>, vector<1024x784xf32>
    %reduce_min3A_381 = arith.constant dense<0x7F800000> : vector<1024xf32>
    %reduce_min3A_382 = vector.multi_reduction <minimumf>, %select_n3A_380, %reduce_min3A_381 [1] : vector<1024x784xf32> to vector<1024xf32>
    %broadcast_in_dim3A_383 = vector.shape_cast %reduce_min3A_382 : vector<1024xf32> to vector<1024x1xf32>
    %eq3A_384 = vector.broadcast %broadcast_in_dim3A_383 : vector<1024x1xf32> to vector<1024x784xf32>
    %eq3A_385 = arith.cmpf oeq, %select_n3A_380, %eq3A_384 : vector<1024x784xf32>
    %jit3A_386 = arith.constant 1073741824 : i32
    %broadcast_in_dim3A_387 = vector.broadcast %jit3A_386 : i32 to vector<1024x784xi32>
    %select_n3A_388 = arith.select %eq3A_385, %iota3A, %broadcast_in_dim3A_387 : vector<1024x784xi1>, vector<1024x784xi32>
    %reduce_min3A_389 = arith.constant dense<2147483647> : vector<1024xi32>
    %reduce_min3A_390 = vector.multi_reduction <minsi>, %select_n3A_388, %reduce_min3A_389 [1] : vector<1024x784xi32> to vector<1024xi32>
    %broadcast_in_dim3A_391 = vector.shape_cast %reduce_min3A_390 : vector<1024xi32> to vector<1024x1xi32>
    %eq3A_392 = vector.broadcast %broadcast_in_dim3A_391 : vector<1024x1xi32> to vector<1024x784xi32>
    %eq3A_393 = arith.cmpi eq, %iota3A, %eq3A_392 : vector<1024x784xi32>
    %jit3A_394 = arith.constant 0x7F800000 : f32
    %broadcast_in_dim3A_395 = vector.broadcast %jit3A_394 : f32 to vector<1024x784xf32>
    %select_n3A_396 = arith.select %eq3A_393, %broadcast_in_dim3A_395, %select_n3A_380 : vector<1024x784xi1>, vector<1024x784xf32>
    %reduce_min3A_397 = arith.constant dense<0x7F800000> : vector<1024xf32>
    %reduce_min3A_398 = vector.multi_reduction <minimumf>, %select_n3A_396, %reduce_min3A_397 [1] : vector<1024x784xf32> to vector<1024xf32>
    %broadcast_in_dim3A_399 = vector.shape_cast %reduce_min3A_398 : vector<1024xf32> to vector<1024x1xf32>
    %eq3A_400 = vector.broadcast %broadcast_in_dim3A_399 : vector<1024x1xf32> to vector<1024x784xf32>
    %eq3A_401 = arith.cmpf oeq, %select_n3A_396, %eq3A_400 : vector<1024x784xf32>
    %jit3A_402 = arith.constant 1073741824 : i32
    %broadcast_in_dim3A_403 = vector.broadcast %jit3A_402 : i32 to vector<1024x784xi32>
    %select_n3A_404 = arith.select %eq3A_401, %iota3A, %broadcast_in_dim3A_403 : vector<1024x784xi1>, vector<1024x784xi32>
    %reduce_min3A_405 = arith.constant dense<2147483647> : vector<1024xi32>
    %reduce_min3A_406 = vector.multi_reduction <minsi>, %select_n3A_404, %reduce_min3A_405 [1] : vector<1024x784xi32> to vector<1024xi32>
    %broadcast_in_dim3A_407 = vector.shape_cast %reduce_min3A_406 : vector<1024xi32> to vector<1024x1xi32>
    %eq3A_408 = vector.broadcast %broadcast_in_dim3A_407 : vector<1024x1xi32> to vector<1024x784xi32>
    %eq3A_409 = arith.cmpi eq, %iota3A, %eq3A_408 : vector<1024x784xi32>
    %jit3A_410 = arith.constant 0x7F800000 : f32
    %broadcast_in_dim3A_411 = vector.broadcast %jit3A_410 : f32 to vector<1024x784xf32>
    %select_n3A_412 = arith.select %eq3A_409, %broadcast_in_dim3A_411, %select_n3A_396 : vector<1024x784xi1>, vector<1024x784xf32>
    %reduce_min3A_413 = arith.constant dense<0x7F800000> : vector<1024xf32>
    %reduce_min3A_414 = vector.multi_reduction <minimumf>, %select_n3A_412, %reduce_min3A_413 [1] : vector<1024x784xf32> to vector<1024xf32>
    %broadcast_in_dim3A_415 = vector.shape_cast %reduce_min3A_414 : vector<1024xf32> to vector<1024x1xf32>
    %eq3A_416 = vector.broadcast %broadcast_in_dim3A_415 : vector<1024x1xf32> to vector<1024x784xf32>
    %eq3A_417 = arith.cmpf oeq, %select_n3A_412, %eq3A_416 : vector<1024x784xf32>
    %jit3A_418 = arith.constant 1073741824 : i32
    %broadcast_in_dim3A_419 = vector.broadcast %jit3A_418 : i32 to vector<1024x784xi32>
    %select_n3A_420 = arith.select %eq3A_417, %iota3A, %broadcast_in_dim3A_419 : vector<1024x784xi1>, vector<1024x784xi32>
    %reduce_min3A_421 = arith.constant dense<2147483647> : vector<1024xi32>
    %reduce_min3A_422 = vector.multi_reduction <minsi>, %select_n3A_420, %reduce_min3A_421 [1] : vector<1024x784xi32> to vector<1024xi32>
    %broadcast_in_dim3A_423 = vector.shape_cast %reduce_min3A_422 : vector<1024xi32> to vector<1024x1xi32>
    %eq3A_424 = vector.broadcast %broadcast_in_dim3A_423 : vector<1024x1xi32> to vector<1024x784xi32>
    %eq3A_425 = arith.cmpi eq, %iota3A, %eq3A_424 : vector<1024x784xi32>
    %jit3A_426 = arith.constant 0x7F800000 : f32
    %broadcast_in_dim3A_427 = vector.broadcast %jit3A_426 : f32 to vector<1024x784xf32>
    %select_n3A_428 = arith.select %eq3A_425, %broadcast_in_dim3A_427, %select_n3A_412 : vector<1024x784xi1>, vector<1024x784xf32>
    %reduce_min3A_429 = arith.constant dense<0x7F800000> : vector<1024xf32>
    %reduce_min3A_430 = vector.multi_reduction <minimumf>, %select_n3A_428, %reduce_min3A_429 [1] : vector<1024x784xf32> to vector<1024xf32>
    %broadcast_in_dim3A_431 = vector.shape_cast %reduce_min3A_430 : vector<1024xf32> to vector<1024x1xf32>
    %eq3A_432 = vector.broadcast %broadcast_in_dim3A_431 : vector<1024x1xf32> to vector<1024x784xf32>
    %eq3A_433 = arith.cmpf oeq, %select_n3A_428, %eq3A_432 : vector<1024x784xf32>
    %jit3A_434 = arith.constant 1073741824 : i32
    %broadcast_in_dim3A_435 = vector.broadcast %jit3A_434 : i32 to vector<1024x784xi32>
    %select_n3A_436 = arith.select %eq3A_433, %iota3A, %broadcast_in_dim3A_435 : vector<1024x784xi1>, vector<1024x784xi32>
    %reduce_min3A_437 = arith.constant dense<2147483647> : vector<1024xi32>
    %reduce_min3A_438 = vector.multi_reduction <minsi>, %select_n3A_436, %reduce_min3A_437 [1] : vector<1024x784xi32> to vector<1024xi32>
    %broadcast_in_dim3A_439 = vector.shape_cast %reduce_min3A_438 : vector<1024xi32> to vector<1024x1xi32>
    %eq3A_440 = vector.broadcast %broadcast_in_dim3A_439 : vector<1024x1xi32> to vector<1024x784xi32>
    %eq3A_441 = arith.cmpi eq, %iota3A, %eq3A_440 : vector<1024x784xi32>
    %jit3A_442 = arith.constant 0x7F800000 : f32
    %broadcast_in_dim3A_443 = vector.broadcast %jit3A_442 : f32 to vector<1024x784xf32>
    %select_n3A_444 = arith.select %eq3A_441, %broadcast_in_dim3A_443, %select_n3A_428 : vector<1024x784xi1>, vector<1024x784xf32>
    %reduce_min3A_445 = arith.constant dense<0x7F800000> : vector<1024xf32>
    %reduce_min3A_446 = vector.multi_reduction <minimumf>, %select_n3A_444, %reduce_min3A_445 [1] : vector<1024x784xf32> to vector<1024xf32>
    %broadcast_in_dim3A_447 = vector.shape_cast %reduce_min3A_446 : vector<1024xf32> to vector<1024x1xf32>
    %eq3A_448 = vector.broadcast %broadcast_in_dim3A_447 : vector<1024x1xf32> to vector<1024x784xf32>
    %eq3A_449 = arith.cmpf oeq, %select_n3A_444, %eq3A_448 : vector<1024x784xf32>
    %jit3A_450 = arith.constant 1073741824 : i32
    %broadcast_in_dim3A_451 = vector.broadcast %jit3A_450 : i32 to vector<1024x784xi32>
    %select_n3A_452 = arith.select %eq3A_449, %iota3A, %broadcast_in_dim3A_451 : vector<1024x784xi1>, vector<1024x784xi32>
    %reduce_min3A_453 = arith.constant dense<2147483647> : vector<1024xi32>
    %reduce_min3A_454 = vector.multi_reduction <minsi>, %select_n3A_452, %reduce_min3A_453 [1] : vector<1024x784xi32> to vector<1024xi32>
    %broadcast_in_dim3A_455 = vector.shape_cast %reduce_min3A_454 : vector<1024xi32> to vector<1024x1xi32>
    %eq3A_456 = vector.broadcast %broadcast_in_dim3A_455 : vector<1024x1xi32> to vector<1024x784xi32>
    %eq3A_457 = arith.cmpi eq, %iota3A, %eq3A_456 : vector<1024x784xi32>
    %jit3A_458 = arith.constant 0x7F800000 : f32
    %broadcast_in_dim3A_459 = vector.broadcast %jit3A_458 : f32 to vector<1024x784xf32>
    %select_n3A_460 = arith.select %eq3A_457, %broadcast_in_dim3A_459, %select_n3A_444 : vector<1024x784xi1>, vector<1024x784xf32>
    %reduce_min3A_461 = arith.constant dense<0x7F800000> : vector<1024xf32>
    %reduce_min3A_462 = vector.multi_reduction <minimumf>, %select_n3A_460, %reduce_min3A_461 [1] : vector<1024x784xf32> to vector<1024xf32>
    %broadcast_in_dim3A_463 = vector.shape_cast %reduce_min3A_462 : vector<1024xf32> to vector<1024x1xf32>
    %eq3A_464 = vector.broadcast %broadcast_in_dim3A_463 : vector<1024x1xf32> to vector<1024x784xf32>
    %eq3A_465 = arith.cmpf oeq, %select_n3A_460, %eq3A_464 : vector<1024x784xf32>
    %jit3A_466 = arith.constant 1073741824 : i32
    %broadcast_in_dim3A_467 = vector.broadcast %jit3A_466 : i32 to vector<1024x784xi32>
    %select_n3A_468 = arith.select %eq3A_465, %iota3A, %broadcast_in_dim3A_467 : vector<1024x784xi1>, vector<1024x784xi32>
    %reduce_min3A_469 = arith.constant dense<2147483647> : vector<1024xi32>
    %reduce_min3A_470 = vector.multi_reduction <minsi>, %select_n3A_468, %reduce_min3A_469 [1] : vector<1024x784xi32> to vector<1024xi32>
    %broadcast_in_dim3A_471 = vector.shape_cast %reduce_min3A_470 : vector<1024xi32> to vector<1024x1xi32>
    %eq3A_472 = vector.broadcast %broadcast_in_dim3A_471 : vector<1024x1xi32> to vector<1024x784xi32>
    %eq3A_473 = arith.cmpi eq, %iota3A, %eq3A_472 : vector<1024x784xi32>
    %jit3A_474 = arith.constant 0x7F800000 : f32
    %broadcast_in_dim3A_475 = vector.broadcast %jit3A_474 : f32 to vector<1024x784xf32>
    %select_n3A_476 = arith.select %eq3A_473, %broadcast_in_dim3A_475, %select_n3A_460 : vector<1024x784xi1>, vector<1024x784xf32>
    %reduce_min3A_477 = arith.constant dense<0x7F800000> : vector<1024xf32>
    %reduce_min3A_478 = vector.multi_reduction <minimumf>, %select_n3A_476, %reduce_min3A_477 [1] : vector<1024x784xf32> to vector<1024xf32>
    %broadcast_in_dim3A_479 = vector.shape_cast %reduce_min3A_478 : vector<1024xf32> to vector<1024x1xf32>
    %eq3A_480 = vector.broadcast %broadcast_in_dim3A_479 : vector<1024x1xf32> to vector<1024x784xf32>
    %eq3A_481 = arith.cmpf oeq, %select_n3A_476, %eq3A_480 : vector<1024x784xf32>
    %jit3A_482 = arith.constant 1073741824 : i32
    %broadcast_in_dim3A_483 = vector.broadcast %jit3A_482 : i32 to vector<1024x784xi32>
    %select_n3A_484 = arith.select %eq3A_481, %iota3A, %broadcast_in_dim3A_483 : vector<1024x784xi1>, vector<1024x784xi32>
    %reduce_min3A_485 = arith.constant dense<2147483647> : vector<1024xi32>
    %reduce_min3A_486 = vector.multi_reduction <minsi>, %select_n3A_484, %reduce_min3A_485 [1] : vector<1024x784xi32> to vector<1024xi32>
    %broadcast_in_dim3A_487 = vector.shape_cast %reduce_min3A_486 : vector<1024xi32> to vector<1024x1xi32>
    %eq3A_488 = vector.broadcast %broadcast_in_dim3A_487 : vector<1024x1xi32> to vector<1024x784xi32>
    %eq3A_489 = arith.cmpi eq, %iota3A, %eq3A_488 : vector<1024x784xi32>
    %jit3A_490 = arith.constant 0x7F800000 : f32
    %broadcast_in_dim3A_491 = vector.broadcast %jit3A_490 : f32 to vector<1024x784xf32>
    %select_n3A_492 = arith.select %eq3A_489, %broadcast_in_dim3A_491, %select_n3A_476 : vector<1024x784xi1>, vector<1024x784xf32>
    %reduce_min3A_493 = arith.constant dense<0x7F800000> : vector<1024xf32>
    %reduce_min3A_494 = vector.multi_reduction <minimumf>, %select_n3A_492, %reduce_min3A_493 [1] : vector<1024x784xf32> to vector<1024xf32>
    %broadcast_in_dim3A_495 = vector.shape_cast %reduce_min3A_494 : vector<1024xf32> to vector<1024x1xf32>
    %eq3A_496 = vector.broadcast %broadcast_in_dim3A_495 : vector<1024x1xf32> to vector<1024x784xf32>
    %eq3A_497 = arith.cmpf oeq, %select_n3A_492, %eq3A_496 : vector<1024x784xf32>
    %jit3A_498 = arith.constant 1073741824 : i32
    %broadcast_in_dim3A_499 = vector.broadcast %jit3A_498 : i32 to vector<1024x784xi32>
    %select_n3A_500 = arith.select %eq3A_497, %iota3A, %broadcast_in_dim3A_499 : vector<1024x784xi1>, vector<1024x784xi32>
    %reduce_min3A_501 = arith.constant dense<2147483647> : vector<1024xi32>
    %reduce_min3A_502 = vector.multi_reduction <minsi>, %select_n3A_500, %reduce_min3A_501 [1] : vector<1024x784xi32> to vector<1024xi32>
    %broadcast_in_dim3A_503 = vector.shape_cast %reduce_min3A_502 : vector<1024xi32> to vector<1024x1xi32>
    %concatenate3A = tpu.concatenate %broadcast_in_dim3A_7, %broadcast_in_dim3A_23, %broadcast_in_dim3A_39, %broadcast_in_dim3A_55, %broadcast_in_dim3A_71, %broadcast_in_dim3A_87, %broadcast_in_dim3A_103, %broadcast_in_dim3A_119, %broadcast_in_dim3A_135, %broadcast_in_dim3A_151, %broadcast_in_dim3A_167, %broadcast_in_dim3A_183, %broadcast_in_dim3A_199, %broadcast_in_dim3A_215, %broadcast_in_dim3A_231, %broadcast_in_dim3A_247, %broadcast_in_dim3A_263, %broadcast_in_dim3A_279, %broadcast_in_dim3A_295, %broadcast_in_dim3A_311, %broadcast_in_dim3A_327, %broadcast_in_dim3A_343, %broadcast_in_dim3A_359, %broadcast_in_dim3A_375, %broadcast_in_dim3A_391, %broadcast_in_dim3A_407, %broadcast_in_dim3A_423, %broadcast_in_dim3A_439, %broadcast_in_dim3A_455, %broadcast_in_dim3A_471, %broadcast_in_dim3A_487, %broadcast_in_dim3A_503 in 1 : vector<1024x1xi32>, vector<1024x1xi32>, vector<1024x1xi32>, vector<1024x1xi32>, vector<1024x1xi32>, vector<1024x1xi32>, vector<1024x1xi32>, vector<1024x1xi32>, vector<1024x1xi32>, vector<1024x1xi32>, vector<1024x1xi32>, vector<1024x1xi32>, vector<1024x1xi32>, vector<1024x1xi32>, vector<1024x1xi32>, vector<1024x1xi32>, vector<1024x1xi32>, vector<1024x1xi32>, vector<1024x1xi32>, vector<1024x1xi32>, vector<1024x1xi32>, vector<1024x1xi32>, vector<1024x1xi32>, vector<1024x1xi32>, vector<1024x1xi32>, vector<1024x1xi32>, vector<1024x1xi32>, vector<1024x1xi32>, vector<1024x1xi32>, vector<1024x1xi32>, vector<1024x1xi32>, vector<1024x1xi32> -> vector<1024x32xi32>
    %iota3A_504 = tpu.iota {dimensions = array<i32: 0>} : vector<1024x32xi32>
    %jit3A_505 = arith.constant 8 : i32
    %div3A = vector.broadcast %jit3A_505 : i32 to vector<1024x32xi32>
    %div3A_506 = arith.divsi %iota3A_504, %div3A : vector<1024x32xi32>
    %sign3A = arith.constant 0 : i32
    %sign3A_507 = vector.broadcast %sign3A : i32 to vector<1024x32xi32>
    %sign3A_508 = arith.cmpi sgt, %iota3A_504, %sign3A_507 : vector<1024x32xi32>
    %sign3A_509 = arith.extui %sign3A_508 : vector<1024x32xi1> to vector<1024x32xi32>
    %sign3A_510 = arith.constant 0 : i32
    %sign3A_511 = vector.broadcast %sign3A_510 : i32 to vector<1024x32xi32>
    %sign3A_512 = arith.cmpi slt, %iota3A_504, %sign3A_511 : vector<1024x32xi32>
    %sign3A_513 = arith.extui %sign3A_512 : vector<1024x32xi1> to vector<1024x32xi32>
    %sign3A_514 = arith.subi %sign3A_509, %sign3A_513 : vector<1024x32xi32>
    %sign3A_515 = arith.constant 0 : i32
    %sign3A_516 = arith.cmpi sgt, %jit3A_505, %sign3A_515 : i32
    %sign3A_517 = arith.extui %sign3A_516 : i1 to i32
    %sign3A_518 = arith.constant 0 : i32
    %sign3A_519 = arith.cmpi slt, %jit3A_505, %sign3A_518 : i32
    %sign3A_520 = arith.extui %sign3A_519 : i1 to i32
    %sign3A_521 = arith.subi %sign3A_517, %sign3A_520 : i32
    %ne3A = vector.broadcast %sign3A_521 : i32 to vector<1024x32xi32>
    %ne3A_522 = arith.cmpi ne, %sign3A_514, %ne3A : vector<1024x32xi32>
    %rem3A = vector.broadcast %jit3A_505 : i32 to vector<1024x32xi32>
    %rem3A_523 = arith.remsi %iota3A_504, %rem3A : vector<1024x32xi32>
    %ne3A_524 = arith.constant 0 : i32
    %ne3A_525 = vector.broadcast %ne3A_524 : i32 to vector<1024x32xi32>
    %ne3A_526 = arith.cmpi ne, %rem3A_523, %ne3A_525 : vector<1024x32xi32>
    %and3A = arith.andi %ne3A_522, %ne3A_526 : vector<1024x32xi1>
    %sub3A = arith.constant 1 : i32
    %sub3A_527 = vector.broadcast %sub3A : i32 to vector<1024x32xi32>
    %sub3A_528 = arith.subi %div3A_506, %sub3A_527 : vector<1024x32xi32>
    %select_n3A_529 = arith.select %and3A, %sub3A_528, %div3A_506 : vector<1024x32xi1>, vector<1024x32xi32>
    %mul3A = arith.constant 6272 : i32
    %mul3A_530 = vector.broadcast %mul3A : i32 to vector<1024x32xi32>
    %mul3A_531 = arith.muli %select_n3A_529, %mul3A_530 : vector<1024x32xi32>
    %mul3A_532 = arith.constant 8 : i32
    %mul3A_533 = vector.broadcast %mul3A_532 : i32 to vector<1024x32xi32>
    %mul3A_534 = arith.muli %concatenate3A, %mul3A_533 : vector<1024x32xi32>
    %add3A = arith.addi %mul3A_531, %mul3A_534 : vector<1024x32xi32>
    %jit3A_535 = arith.constant 8 : i32
    %eq3A_536 = arith.constant 0 : i32
    %eq3A_537 = arith.cmpi eq, %jit3A_535, %eq3A_536 : i32
    %jit3A_538 = arith.constant 1 : i32
    %select_n3A_539 = arith.select %eq3A_537, %jit3A_538, %jit3A_535 : i32
    %rem3A_540 = vector.broadcast %select_n3A_539 : i32 to vector<1024x32xi32>
    %rem3A_541 = arith.remsi %iota3A_504, %rem3A_540 : vector<1024x32xi32>
    %ne3A_542 = arith.constant 0 : i32
    %ne3A_543 = vector.broadcast %ne3A_542 : i32 to vector<1024x32xi32>
    %ne3A_544 = arith.cmpi ne, %rem3A_541, %ne3A_543 : vector<1024x32xi32>
    %lt3A = arith.constant 0 : i32
    %lt3A_545 = vector.broadcast %lt3A : i32 to vector<1024x32xi32>
    %lt3A_546 = arith.cmpi slt, %rem3A_541, %lt3A_545 : vector<1024x32xi32>
    %lt3A_547 = arith.constant 0 : i32
    %lt3A_548 = arith.cmpi slt, %select_n3A_539, %lt3A_547 : i32
    %ne3A_549 = vector.broadcast %lt3A_548 : i1 to vector<1024x32xi1>
    %ne3A_550 = vector.broadcast %ne3A_549 : vector<1024x32xi1> to vector<1024x32xi1>
    %ne3A_551 = arith.xori %lt3A_546, %ne3A_550 : vector<1024x32xi1>
    %and3A_552 = arith.andi %ne3A_551, %ne3A_544 : vector<1024x32xi1>
    %add3A_553 = vector.broadcast %select_n3A_539 : i32 to vector<1024x32xi32>
    %add3A_554 = arith.addi %rem3A_541, %add3A_553 : vector<1024x32xi32>
    %select_n3A_555 = arith.select %and3A_552, %add3A_554, %rem3A_541 : vector<1024x32xi1>, vector<1024x32xi32>
    %add3A_556 = arith.addi %add3A, %select_n3A_555 : vector<1024x32xi32>
    %swap3A = arith.constant 0 : index
    %swap3A_557 = arith.constant 0 : index
    %swap3A_558 = vector.load %arg1[%swap3A, %swap3A_557] : memref<1024x32xi32, #tpu.memory_space<vmem>>, vector<1024x32xi32>
    tpu.vector_store %arg1[%swap3A, %swap3A_557], %add3A_556 {strides = array<i32>} : memref<1024x32xi32, #tpu.memory_space<vmem>>, vector<1024x32xi32>,
    return
  }
}

module attributes {stable_mosaic.version = 14 : i64} {
  func.func @_final_body(%arg0: i32, %arg1: memref<128x4096xf32, #tpu.memory_space<vmem>>, %arg2: memref<128x32xi32, #tpu.memory_space<vmem>>, %arg3: memref<128x32xi32, #tpu.memory_space<vmem>>, %arg4: memref<128x32xf32, #tpu.memory_space<vmem>>) attributes {dimension_semantics = [#tpu.dimension_semantics<arbitrary>], iteration_bounds = array<i64: 8>, scalar_prefetch = 0 : i64, scratch_operands = 0 : i64, tpu.core_type = #tpu.core_type<tc>, window_params = [{transform_indices = @transform_0, window_bounds = array<i64: 128, 4096>}, {transform_indices = @transform_1, window_bounds = array<i64: 128, 32>}, {transform_indices = @transform_2, window_bounds = array<i64: 128, 32>}, {transform_indices = @transform_3, window_bounds = array<i64: 128, 32>}]} {
    %get3A = arith.constant 0 : index
    %get3A_0 = arith.constant 0 : index
    %get3A_1 = vector.load %arg1[%get3A, %get3A_0] : memref<128x4096xf32, #tpu.memory_space<vmem>>, vector<128x4096xf32>
    %get3A_2 = arith.constant 0 : index
    %get3A_3 = arith.constant 0 : index
    %get3A_4 = vector.load %arg2[%get3A_2, %get3A_3] : memref<128x32xi32, #tpu.memory_space<vmem>>, vector<128x32xi32>
    %jit3A = arith.constant 6272 : i32
    %eq3A = arith.constant 0 : i32
    %eq3A_5 = arith.cmpi eq, %jit3A, %eq3A : i32
    %jit3A_6 = arith.constant 1 : i32
    %select_n3A = arith.select %eq3A_5, %jit3A_6, %jit3A : i32
    %rem3A = vector.broadcast %select_n3A : i32 to vector<128x32xi32>
    %rem3A_7 = arith.remsi %get3A_4, %rem3A : vector<128x32xi32>
    %ne3A = arith.constant 0 : i32
    %ne3A_8 = vector.broadcast %ne3A : i32 to vector<128x32xi32>
    %ne3A_9 = arith.cmpi ne, %rem3A_7, %ne3A_8 : vector<128x32xi32>
    %lt3A = arith.constant 0 : i32
    %lt3A_10 = vector.broadcast %lt3A : i32 to vector<128x32xi32>
    %lt3A_11 = arith.cmpi slt, %rem3A_7, %lt3A_10 : vector<128x32xi32>
    %lt3A_12 = arith.constant 0 : i32
    %lt3A_13 = arith.cmpi slt, %select_n3A, %lt3A_12 : i32
    %ne3A_14 = vector.broadcast %lt3A_13 : i1 to vector<128x32xi1>
    %ne3A_15 = vector.broadcast %ne3A_14 : vector<128x32xi1> to vector<128x32xi1>
    %ne3A_16 = arith.xori %lt3A_11, %ne3A_15 : vector<128x32xi1>
    %and3A = arith.andi %ne3A_16, %ne3A_9 : vector<128x32xi1>
    %add3A = vector.broadcast %select_n3A : i32 to vector<128x32xi32>
    %add3A_17 = arith.addi %rem3A_7, %add3A : vector<128x32xi32>
    %select_n3A_18 = arith.select %and3A, %add3A_17, %rem3A_7 : vector<128x32xi1>, vector<128x32xi32>
    %jit3A_19 = arith.constant 8 : i32
    %div3A = vector.broadcast %jit3A_19 : i32 to vector<128x32xi32>
    %div3A_20 = arith.divsi %select_n3A_18, %div3A : vector<128x32xi32>
    %sign3A = arith.constant 0 : i32
    %sign3A_21 = vector.broadcast %sign3A : i32 to vector<128x32xi32>
    %sign3A_22 = arith.cmpi sgt, %select_n3A_18, %sign3A_21 : vector<128x32xi32>
    %sign3A_23 = arith.extui %sign3A_22 : vector<128x32xi1> to vector<128x32xi32>
    %sign3A_24 = arith.constant 0 : i32
    %sign3A_25 = vector.broadcast %sign3A_24 : i32 to vector<128x32xi32>
    %sign3A_26 = arith.cmpi slt, %select_n3A_18, %sign3A_25 : vector<128x32xi32>
    %sign3A_27 = arith.extui %sign3A_26 : vector<128x32xi1> to vector<128x32xi32>
    %sign3A_28 = arith.subi %sign3A_23, %sign3A_27 : vector<128x32xi32>
    %sign3A_29 = arith.constant 0 : i32
    %sign3A_30 = arith.cmpi sgt, %jit3A_19, %sign3A_29 : i32
    %sign3A_31 = arith.extui %sign3A_30 : i1 to i32
    %sign3A_32 = arith.constant 0 : i32
    %sign3A_33 = arith.cmpi slt, %jit3A_19, %sign3A_32 : i32
    %sign3A_34 = arith.extui %sign3A_33 : i1 to i32
    %sign3A_35 = arith.subi %sign3A_31, %sign3A_34 : i32
    %ne3A_36 = vector.broadcast %sign3A_35 : i32 to vector<128x32xi32>
    %ne3A_37 = arith.cmpi ne, %sign3A_28, %ne3A_36 : vector<128x32xi32>
    %rem3A_38 = vector.broadcast %jit3A_19 : i32 to vector<128x32xi32>
    %rem3A_39 = arith.remsi %select_n3A_18, %rem3A_38 : vector<128x32xi32>
    %ne3A_40 = arith.constant 0 : i32
    %ne3A_41 = vector.broadcast %ne3A_40 : i32 to vector<128x32xi32>
    %ne3A_42 = arith.cmpi ne, %rem3A_39, %ne3A_41 : vector<128x32xi32>
    %and3A_43 = arith.andi %ne3A_37, %ne3A_42 : vector<128x32xi1>
    %sub3A = arith.constant 1 : i32
    %sub3A_44 = vector.broadcast %sub3A : i32 to vector<128x32xi32>
    %sub3A_45 = arith.subi %div3A_20, %sub3A_44 : vector<128x32xi32>
    %select_n3A_46 = arith.select %and3A_43, %sub3A_45, %div3A_20 : vector<128x32xi1>, vector<128x32xi32>
    %iota3A = tpu.iota {dimensions = array<i32: 2>} : vector<128x32x128xi32>
    %broadcast_in_dim3A = vector.shape_cast %select_n3A_46 : vector<128x32xi32> to vector<128x32x1xi32>
    %mul3A = arith.constant 128 : i32
    %mul3A_47 = vector.broadcast %mul3A : i32 to vector<128x32x1xi32>
    %mul3A_48 = arith.muli %broadcast_in_dim3A, %mul3A_47 : vector<128x32x1xi32>
    %add3A_49 = vector.broadcast %mul3A_48 : vector<128x32x1xi32> to vector<128x32x128xi32>
    %add3A_50 = arith.addi %add3A_49, %iota3A : vector<128x32x128xi32>
    %reshape3A = vector.shape_cast %add3A_50 : vector<128x32x128xi32> to vector<128x4096xi32>
    %max3A = arith.constant 0.000000e+00 : f32
    %max3A_51 = vector.broadcast %max3A : f32 to vector<128x4096xf32>
    %max3A_52 = arith.maximumf %get3A_1, %max3A_51 : vector<128x4096xf32>
    %sqrt3A = math.sqrt %max3A_52 : vector<128x4096xf32>
    %reduce_min3A = arith.constant dense<0x7F800000> : vector<128xf32>
    %reduce_min3A_53 = vector.multi_reduction <minimumf>, %sqrt3A, %reduce_min3A [1] : vector<128x4096xf32> to vector<128xf32>
    %broadcast_in_dim3A_54 = vector.shape_cast %reduce_min3A_53 : vector<128xf32> to vector<128x1xf32>
    %eq3A_55 = vector.broadcast %broadcast_in_dim3A_54 : vector<128x1xf32> to vector<128x4096xf32>
    %eq3A_56 = arith.cmpf oeq, %sqrt3A, %eq3A_55 : vector<128x4096xf32>
    %jit3A_57 = arith.constant 1073741824 : i32
    %broadcast_in_dim3A_58 = vector.broadcast %jit3A_57 : i32 to vector<128x4096xi32>
    %select_n3A_59 = arith.select %eq3A_56, %reshape3A, %broadcast_in_dim3A_58 : vector<128x4096xi1>, vector<128x4096xi32>
    %reduce_min3A_60 = arith.constant dense<2147483647> : vector<128xi32>
    %reduce_min3A_61 = vector.multi_reduction <minsi>, %select_n3A_59, %reduce_min3A_60 [1] : vector<128x4096xi32> to vector<128xi32>
    %broadcast_in_dim3A_62 = vector.shape_cast %reduce_min3A_61 : vector<128xi32> to vector<128x1xi32>
    %eq3A_63 = vector.broadcast %broadcast_in_dim3A_62 : vector<128x1xi32> to vector<128x4096xi32>
    %eq3A_64 = arith.cmpi eq, %reshape3A, %eq3A_63 : vector<128x4096xi32>
    %jit3A_65 = arith.constant 0x7F800000 : f32
    %broadcast_in_dim3A_66 = vector.broadcast %jit3A_65 : f32 to vector<128x4096xf32>
    %select_n3A_67 = arith.select %eq3A_64, %broadcast_in_dim3A_66, %sqrt3A : vector<128x4096xi1>, vector<128x4096xf32>
    %reduce_min3A_68 = arith.constant dense<0x7F800000> : vector<128xf32>
    %reduce_min3A_69 = vector.multi_reduction <minimumf>, %select_n3A_67, %reduce_min3A_68 [1] : vector<128x4096xf32> to vector<128xf32>
    %broadcast_in_dim3A_70 = vector.shape_cast %reduce_min3A_69 : vector<128xf32> to vector<128x1xf32>
    %eq3A_71 = vector.broadcast %broadcast_in_dim3A_70 : vector<128x1xf32> to vector<128x4096xf32>
    %eq3A_72 = arith.cmpf oeq, %select_n3A_67, %eq3A_71 : vector<128x4096xf32>
    %jit3A_73 = arith.constant 1073741824 : i32
    %broadcast_in_dim3A_74 = vector.broadcast %jit3A_73 : i32 to vector<128x4096xi32>
    %select_n3A_75 = arith.select %eq3A_72, %reshape3A, %broadcast_in_dim3A_74 : vector<128x4096xi1>, vector<128x4096xi32>
    %reduce_min3A_76 = arith.constant dense<2147483647> : vector<128xi32>
    %reduce_min3A_77 = vector.multi_reduction <minsi>, %select_n3A_75, %reduce_min3A_76 [1] : vector<128x4096xi32> to vector<128xi32>
    %broadcast_in_dim3A_78 = vector.shape_cast %reduce_min3A_77 : vector<128xi32> to vector<128x1xi32>
    %eq3A_79 = vector.broadcast %broadcast_in_dim3A_78 : vector<128x1xi32> to vector<128x4096xi32>
    %eq3A_80 = arith.cmpi eq, %reshape3A, %eq3A_79 : vector<128x4096xi32>
    %jit3A_81 = arith.constant 0x7F800000 : f32
    %broadcast_in_dim3A_82 = vector.broadcast %jit3A_81 : f32 to vector<128x4096xf32>
    %select_n3A_83 = arith.select %eq3A_80, %broadcast_in_dim3A_82, %select_n3A_67 : vector<128x4096xi1>, vector<128x4096xf32>
    %reduce_min3A_84 = arith.constant dense<0x7F800000> : vector<128xf32>
    %reduce_min3A_85 = vector.multi_reduction <minimumf>, %select_n3A_83, %reduce_min3A_84 [1] : vector<128x4096xf32> to vector<128xf32>
    %broadcast_in_dim3A_86 = vector.shape_cast %reduce_min3A_85 : vector<128xf32> to vector<128x1xf32>
    %eq3A_87 = vector.broadcast %broadcast_in_dim3A_86 : vector<128x1xf32> to vector<128x4096xf32>
    %eq3A_88 = arith.cmpf oeq, %select_n3A_83, %eq3A_87 : vector<128x4096xf32>
    %jit3A_89 = arith.constant 1073741824 : i32
    %broadcast_in_dim3A_90 = vector.broadcast %jit3A_89 : i32 to vector<128x4096xi32>
    %select_n3A_91 = arith.select %eq3A_88, %reshape3A, %broadcast_in_dim3A_90 : vector<128x4096xi1>, vector<128x4096xi32>
    %reduce_min3A_92 = arith.constant dense<2147483647> : vector<128xi32>
    %reduce_min3A_93 = vector.multi_reduction <minsi>, %select_n3A_91, %reduce_min3A_92 [1] : vector<128x4096xi32> to vector<128xi32>
    %broadcast_in_dim3A_94 = vector.shape_cast %reduce_min3A_93 : vector<128xi32> to vector<128x1xi32>
    %eq3A_95 = vector.broadcast %broadcast_in_dim3A_94 : vector<128x1xi32> to vector<128x4096xi32>
    %eq3A_96 = arith.cmpi eq, %reshape3A, %eq3A_95 : vector<128x4096xi32>
    %jit3A_97 = arith.constant 0x7F800000 : f32
    %broadcast_in_dim3A_98 = vector.broadcast %jit3A_97 : f32 to vector<128x4096xf32>
    %select_n3A_99 = arith.select %eq3A_96, %broadcast_in_dim3A_98, %select_n3A_83 : vector<128x4096xi1>, vector<128x4096xf32>
    %reduce_min3A_100 = arith.constant dense<0x7F800000> : vector<128xf32>
    %reduce_min3A_101 = vector.multi_reduction <minimumf>, %select_n3A_99, %reduce_min3A_100 [1] : vector<128x4096xf32> to vector<128xf32>
    %broadcast_in_dim3A_102 = vector.shape_cast %reduce_min3A_101 : vector<128xf32> to vector<128x1xf32>
    %eq3A_103 = vector.broadcast %broadcast_in_dim3A_102 : vector<128x1xf32> to vector<128x4096xf32>
    %eq3A_104 = arith.cmpf oeq, %select_n3A_99, %eq3A_103 : vector<128x4096xf32>
    %jit3A_105 = arith.constant 1073741824 : i32
    %broadcast_in_dim3A_106 = vector.broadcast %jit3A_105 : i32 to vector<128x4096xi32>
    %select_n3A_107 = arith.select %eq3A_104, %reshape3A, %broadcast_in_dim3A_106 : vector<128x4096xi1>, vector<128x4096xi32>
    %reduce_min3A_108 = arith.constant dense<2147483647> : vector<128xi32>
    %reduce_min3A_109 = vector.multi_reduction <minsi>, %select_n3A_107, %reduce_min3A_108 [1] : vector<128x4096xi32> to vector<128xi32>
    %broadcast_in_dim3A_110 = vector.shape_cast %reduce_min3A_109 : vector<128xi32> to vector<128x1xi32>
    %eq3A_111 = vector.broadcast %broadcast_in_dim3A_110 : vector<128x1xi32> to vector<128x4096xi32>
    %eq3A_112 = arith.cmpi eq, %reshape3A, %eq3A_111 : vector<128x4096xi32>
    %jit3A_113 = arith.constant 0x7F800000 : f32
    %broadcast_in_dim3A_114 = vector.broadcast %jit3A_113 : f32 to vector<128x4096xf32>
    %select_n3A_115 = arith.select %eq3A_112, %broadcast_in_dim3A_114, %select_n3A_99 : vector<128x4096xi1>, vector<128x4096xf32>
    %reduce_min3A_116 = arith.constant dense<0x7F800000> : vector<128xf32>
    %reduce_min3A_117 = vector.multi_reduction <minimumf>, %select_n3A_115, %reduce_min3A_116 [1] : vector<128x4096xf32> to vector<128xf32>
    %broadcast_in_dim3A_118 = vector.shape_cast %reduce_min3A_117 : vector<128xf32> to vector<128x1xf32>
    %eq3A_119 = vector.broadcast %broadcast_in_dim3A_118 : vector<128x1xf32> to vector<128x4096xf32>
    %eq3A_120 = arith.cmpf oeq, %select_n3A_115, %eq3A_119 : vector<128x4096xf32>
    %jit3A_121 = arith.constant 1073741824 : i32
    %broadcast_in_dim3A_122 = vector.broadcast %jit3A_121 : i32 to vector<128x4096xi32>
    %select_n3A_123 = arith.select %eq3A_120, %reshape3A, %broadcast_in_dim3A_122 : vector<128x4096xi1>, vector<128x4096xi32>
    %reduce_min3A_124 = arith.constant dense<2147483647> : vector<128xi32>
    %reduce_min3A_125 = vector.multi_reduction <minsi>, %select_n3A_123, %reduce_min3A_124 [1] : vector<128x4096xi32> to vector<128xi32>
    %broadcast_in_dim3A_126 = vector.shape_cast %reduce_min3A_125 : vector<128xi32> to vector<128x1xi32>
    %eq3A_127 = vector.broadcast %broadcast_in_dim3A_126 : vector<128x1xi32> to vector<128x4096xi32>
    %eq3A_128 = arith.cmpi eq, %reshape3A, %eq3A_127 : vector<128x4096xi32>
    %jit3A_129 = arith.constant 0x7F800000 : f32
    %broadcast_in_dim3A_130 = vector.broadcast %jit3A_129 : f32 to vector<128x4096xf32>
    %select_n3A_131 = arith.select %eq3A_128, %broadcast_in_dim3A_130, %select_n3A_115 : vector<128x4096xi1>, vector<128x4096xf32>
    %reduce_min3A_132 = arith.constant dense<0x7F800000> : vector<128xf32>
    %reduce_min3A_133 = vector.multi_reduction <minimumf>, %select_n3A_131, %reduce_min3A_132 [1] : vector<128x4096xf32> to vector<128xf32>
    %broadcast_in_dim3A_134 = vector.shape_cast %reduce_min3A_133 : vector<128xf32> to vector<128x1xf32>
    %eq3A_135 = vector.broadcast %broadcast_in_dim3A_134 : vector<128x1xf32> to vector<128x4096xf32>
    %eq3A_136 = arith.cmpf oeq, %select_n3A_131, %eq3A_135 : vector<128x4096xf32>
    %jit3A_137 = arith.constant 1073741824 : i32
    %broadcast_in_dim3A_138 = vector.broadcast %jit3A_137 : i32 to vector<128x4096xi32>
    %select_n3A_139 = arith.select %eq3A_136, %reshape3A, %broadcast_in_dim3A_138 : vector<128x4096xi1>, vector<128x4096xi32>
    %reduce_min3A_140 = arith.constant dense<2147483647> : vector<128xi32>
    %reduce_min3A_141 = vector.multi_reduction <minsi>, %select_n3A_139, %reduce_min3A_140 [1] : vector<128x4096xi32> to vector<128xi32>
    %broadcast_in_dim3A_142 = vector.shape_cast %reduce_min3A_141 : vector<128xi32> to vector<128x1xi32>
    %eq3A_143 = vector.broadcast %broadcast_in_dim3A_142 : vector<128x1xi32> to vector<128x4096xi32>
    %eq3A_144 = arith.cmpi eq, %reshape3A, %eq3A_143 : vector<128x4096xi32>
    %jit3A_145 = arith.constant 0x7F800000 : f32
    %broadcast_in_dim3A_146 = vector.broadcast %jit3A_145 : f32 to vector<128x4096xf32>
    %select_n3A_147 = arith.select %eq3A_144, %broadcast_in_dim3A_146, %select_n3A_131 : vector<128x4096xi1>, vector<128x4096xf32>
    %reduce_min3A_148 = arith.constant dense<0x7F800000> : vector<128xf32>
    %reduce_min3A_149 = vector.multi_reduction <minimumf>, %select_n3A_147, %reduce_min3A_148 [1] : vector<128x4096xf32> to vector<128xf32>
    %broadcast_in_dim3A_150 = vector.shape_cast %reduce_min3A_149 : vector<128xf32> to vector<128x1xf32>
    %eq3A_151 = vector.broadcast %broadcast_in_dim3A_150 : vector<128x1xf32> to vector<128x4096xf32>
    %eq3A_152 = arith.cmpf oeq, %select_n3A_147, %eq3A_151 : vector<128x4096xf32>
    %jit3A_153 = arith.constant 1073741824 : i32
    %broadcast_in_dim3A_154 = vector.broadcast %jit3A_153 : i32 to vector<128x4096xi32>
    %select_n3A_155 = arith.select %eq3A_152, %reshape3A, %broadcast_in_dim3A_154 : vector<128x4096xi1>, vector<128x4096xi32>
    %reduce_min3A_156 = arith.constant dense<2147483647> : vector<128xi32>
    %reduce_min3A_157 = vector.multi_reduction <minsi>, %select_n3A_155, %reduce_min3A_156 [1] : vector<128x4096xi32> to vector<128xi32>
    %broadcast_in_dim3A_158 = vector.shape_cast %reduce_min3A_157 : vector<128xi32> to vector<128x1xi32>
    %eq3A_159 = vector.broadcast %broadcast_in_dim3A_158 : vector<128x1xi32> to vector<128x4096xi32>
    %eq3A_160 = arith.cmpi eq, %reshape3A, %eq3A_159 : vector<128x4096xi32>
    %jit3A_161 = arith.constant 0x7F800000 : f32
    %broadcast_in_dim3A_162 = vector.broadcast %jit3A_161 : f32 to vector<128x4096xf32>
    %select_n3A_163 = arith.select %eq3A_160, %broadcast_in_dim3A_162, %select_n3A_147 : vector<128x4096xi1>, vector<128x4096xf32>
    %reduce_min3A_164 = arith.constant dense<0x7F800000> : vector<128xf32>
    %reduce_min3A_165 = vector.multi_reduction <minimumf>, %select_n3A_163, %reduce_min3A_164 [1] : vector<128x4096xf32> to vector<128xf32>
    %broadcast_in_dim3A_166 = vector.shape_cast %reduce_min3A_165 : vector<128xf32> to vector<128x1xf32>
    %eq3A_167 = vector.broadcast %broadcast_in_dim3A_166 : vector<128x1xf32> to vector<128x4096xf32>
    %eq3A_168 = arith.cmpf oeq, %select_n3A_163, %eq3A_167 : vector<128x4096xf32>
    %jit3A_169 = arith.constant 1073741824 : i32
    %broadcast_in_dim3A_170 = vector.broadcast %jit3A_169 : i32 to vector<128x4096xi32>
    %select_n3A_171 = arith.select %eq3A_168, %reshape3A, %broadcast_in_dim3A_170 : vector<128x4096xi1>, vector<128x4096xi32>
    %reduce_min3A_172 = arith.constant dense<2147483647> : vector<128xi32>
    %reduce_min3A_173 = vector.multi_reduction <minsi>, %select_n3A_171, %reduce_min3A_172 [1] : vector<128x4096xi32> to vector<128xi32>
    %broadcast_in_dim3A_174 = vector.shape_cast %reduce_min3A_173 : vector<128xi32> to vector<128x1xi32>
    %eq3A_175 = vector.broadcast %broadcast_in_dim3A_174 : vector<128x1xi32> to vector<128x4096xi32>
    %eq3A_176 = arith.cmpi eq, %reshape3A, %eq3A_175 : vector<128x4096xi32>
    %jit3A_177 = arith.constant 0x7F800000 : f32
    %broadcast_in_dim3A_178 = vector.broadcast %jit3A_177 : f32 to vector<128x4096xf32>
    %select_n3A_179 = arith.select %eq3A_176, %broadcast_in_dim3A_178, %select_n3A_163 : vector<128x4096xi1>, vector<128x4096xf32>
    %reduce_min3A_180 = arith.constant dense<0x7F800000> : vector<128xf32>
    %reduce_min3A_181 = vector.multi_reduction <minimumf>, %select_n3A_179, %reduce_min3A_180 [1] : vector<128x4096xf32> to vector<128xf32>
    %broadcast_in_dim3A_182 = vector.shape_cast %reduce_min3A_181 : vector<128xf32> to vector<128x1xf32>
    %eq3A_183 = vector.broadcast %broadcast_in_dim3A_182 : vector<128x1xf32> to vector<128x4096xf32>
    %eq3A_184 = arith.cmpf oeq, %select_n3A_179, %eq3A_183 : vector<128x4096xf32>
    %jit3A_185 = arith.constant 1073741824 : i32
    %broadcast_in_dim3A_186 = vector.broadcast %jit3A_185 : i32 to vector<128x4096xi32>
    %select_n3A_187 = arith.select %eq3A_184, %reshape3A, %broadcast_in_dim3A_186 : vector<128x4096xi1>, vector<128x4096xi32>
    %reduce_min3A_188 = arith.constant dense<2147483647> : vector<128xi32>
    %reduce_min3A_189 = vector.multi_reduction <minsi>, %select_n3A_187, %reduce_min3A_188 [1] : vector<128x4096xi32> to vector<128xi32>
    %broadcast_in_dim3A_190 = vector.shape_cast %reduce_min3A_189 : vector<128xi32> to vector<128x1xi32>
    %eq3A_191 = vector.broadcast %broadcast_in_dim3A_190 : vector<128x1xi32> to vector<128x4096xi32>
    %eq3A_192 = arith.cmpi eq, %reshape3A, %eq3A_191 : vector<128x4096xi32>
    %jit3A_193 = arith.constant 0x7F800000 : f32
    %broadcast_in_dim3A_194 = vector.broadcast %jit3A_193 : f32 to vector<128x4096xf32>
    %select_n3A_195 = arith.select %eq3A_192, %broadcast_in_dim3A_194, %select_n3A_179 : vector<128x4096xi1>, vector<128x4096xf32>
    %reduce_min3A_196 = arith.constant dense<0x7F800000> : vector<128xf32>
    %reduce_min3A_197 = vector.multi_reduction <minimumf>, %select_n3A_195, %reduce_min3A_196 [1] : vector<128x4096xf32> to vector<128xf32>
    %broadcast_in_dim3A_198 = vector.shape_cast %reduce_min3A_197 : vector<128xf32> to vector<128x1xf32>
    %eq3A_199 = vector.broadcast %broadcast_in_dim3A_198 : vector<128x1xf32> to vector<128x4096xf32>
    %eq3A_200 = arith.cmpf oeq, %select_n3A_195, %eq3A_199 : vector<128x4096xf32>
    %jit3A_201 = arith.constant 1073741824 : i32
    %broadcast_in_dim3A_202 = vector.broadcast %jit3A_201 : i32 to vector<128x4096xi32>
    %select_n3A_203 = arith.select %eq3A_200, %reshape3A, %broadcast_in_dim3A_202 : vector<128x4096xi1>, vector<128x4096xi32>
    %reduce_min3A_204 = arith.constant dense<2147483647> : vector<128xi32>
    %reduce_min3A_205 = vector.multi_reduction <minsi>, %select_n3A_203, %reduce_min3A_204 [1] : vector<128x4096xi32> to vector<128xi32>
    %broadcast_in_dim3A_206 = vector.shape_cast %reduce_min3A_205 : vector<128xi32> to vector<128x1xi32>
    %eq3A_207 = vector.broadcast %broadcast_in_dim3A_206 : vector<128x1xi32> to vector<128x4096xi32>
    %eq3A_208 = arith.cmpi eq, %reshape3A, %eq3A_207 : vector<128x4096xi32>
    %jit3A_209 = arith.constant 0x7F800000 : f32
    %broadcast_in_dim3A_210 = vector.broadcast %jit3A_209 : f32 to vector<128x4096xf32>
    %select_n3A_211 = arith.select %eq3A_208, %broadcast_in_dim3A_210, %select_n3A_195 : vector<128x4096xi1>, vector<128x4096xf32>
    %reduce_min3A_212 = arith.constant dense<0x7F800000> : vector<128xf32>
    %reduce_min3A_213 = vector.multi_reduction <minimumf>, %select_n3A_211, %reduce_min3A_212 [1] : vector<128x4096xf32> to vector<128xf32>
    %broadcast_in_dim3A_214 = vector.shape_cast %reduce_min3A_213 : vector<128xf32> to vector<128x1xf32>
    %eq3A_215 = vector.broadcast %broadcast_in_dim3A_214 : vector<128x1xf32> to vector<128x4096xf32>
    %eq3A_216 = arith.cmpf oeq, %select_n3A_211, %eq3A_215 : vector<128x4096xf32>
    %jit3A_217 = arith.constant 1073741824 : i32
    %broadcast_in_dim3A_218 = vector.broadcast %jit3A_217 : i32 to vector<128x4096xi32>
    %select_n3A_219 = arith.select %eq3A_216, %reshape3A, %broadcast_in_dim3A_218 : vector<128x4096xi1>, vector<128x4096xi32>
    %reduce_min3A_220 = arith.constant dense<2147483647> : vector<128xi32>
    %reduce_min3A_221 = vector.multi_reduction <minsi>, %select_n3A_219, %reduce_min3A_220 [1] : vector<128x4096xi32> to vector<128xi32>
    %broadcast_in_dim3A_222 = vector.shape_cast %reduce_min3A_221 : vector<128xi32> to vector<128x1xi32>
    %eq3A_223 = vector.broadcast %broadcast_in_dim3A_222 : vector<128x1xi32> to vector<128x4096xi32>
    %eq3A_224 = arith.cmpi eq, %reshape3A, %eq3A_223 : vector<128x4096xi32>
    %jit3A_225 = arith.constant 0x7F800000 : f32
    %broadcast_in_dim3A_226 = vector.broadcast %jit3A_225 : f32 to vector<128x4096xf32>
    %select_n3A_227 = arith.select %eq3A_224, %broadcast_in_dim3A_226, %select_n3A_211 : vector<128x4096xi1>, vector<128x4096xf32>
    %reduce_min3A_228 = arith.constant dense<0x7F800000> : vector<128xf32>
    %reduce_min3A_229 = vector.multi_reduction <minimumf>, %select_n3A_227, %reduce_min3A_228 [1] : vector<128x4096xf32> to vector<128xf32>
    %broadcast_in_dim3A_230 = vector.shape_cast %reduce_min3A_229 : vector<128xf32> to vector<128x1xf32>
    %eq3A_231 = vector.broadcast %broadcast_in_dim3A_230 : vector<128x1xf32> to vector<128x4096xf32>
    %eq3A_232 = arith.cmpf oeq, %select_n3A_227, %eq3A_231 : vector<128x4096xf32>
    %jit3A_233 = arith.constant 1073741824 : i32
    %broadcast_in_dim3A_234 = vector.broadcast %jit3A_233 : i32 to vector<128x4096xi32>
    %select_n3A_235 = arith.select %eq3A_232, %reshape3A, %broadcast_in_dim3A_234 : vector<128x4096xi1>, vector<128x4096xi32>
    %reduce_min3A_236 = arith.constant dense<2147483647> : vector<128xi32>
    %reduce_min3A_237 = vector.multi_reduction <minsi>, %select_n3A_235, %reduce_min3A_236 [1] : vector<128x4096xi32> to vector<128xi32>
    %broadcast_in_dim3A_238 = vector.shape_cast %reduce_min3A_237 : vector<128xi32> to vector<128x1xi32>
    %eq3A_239 = vector.broadcast %broadcast_in_dim3A_238 : vector<128x1xi32> to vector<128x4096xi32>
    %eq3A_240 = arith.cmpi eq, %reshape3A, %eq3A_239 : vector<128x4096xi32>
    %jit3A_241 = arith.constant 0x7F800000 : f32
    %broadcast_in_dim3A_242 = vector.broadcast %jit3A_241 : f32 to vector<128x4096xf32>
    %select_n3A_243 = arith.select %eq3A_240, %broadcast_in_dim3A_242, %select_n3A_227 : vector<128x4096xi1>, vector<128x4096xf32>
    %reduce_min3A_244 = arith.constant dense<0x7F800000> : vector<128xf32>
    %reduce_min3A_245 = vector.multi_reduction <minimumf>, %select_n3A_243, %reduce_min3A_244 [1] : vector<128x4096xf32> to vector<128xf32>
    %broadcast_in_dim3A_246 = vector.shape_cast %reduce_min3A_245 : vector<128xf32> to vector<128x1xf32>
    %eq3A_247 = vector.broadcast %broadcast_in_dim3A_246 : vector<128x1xf32> to vector<128x4096xf32>
    %eq3A_248 = arith.cmpf oeq, %select_n3A_243, %eq3A_247 : vector<128x4096xf32>
    %jit3A_249 = arith.constant 1073741824 : i32
    %broadcast_in_dim3A_250 = vector.broadcast %jit3A_249 : i32 to vector<128x4096xi32>
    %select_n3A_251 = arith.select %eq3A_248, %reshape3A, %broadcast_in_dim3A_250 : vector<128x4096xi1>, vector<128x4096xi32>
    %reduce_min3A_252 = arith.constant dense<2147483647> : vector<128xi32>
    %reduce_min3A_253 = vector.multi_reduction <minsi>, %select_n3A_251, %reduce_min3A_252 [1] : vector<128x4096xi32> to vector<128xi32>
    %broadcast_in_dim3A_254 = vector.shape_cast %reduce_min3A_253 : vector<128xi32> to vector<128x1xi32>
    %eq3A_255 = vector.broadcast %broadcast_in_dim3A_254 : vector<128x1xi32> to vector<128x4096xi32>
    %eq3A_256 = arith.cmpi eq, %reshape3A, %eq3A_255 : vector<128x4096xi32>
    %jit3A_257 = arith.constant 0x7F800000 : f32
    %broadcast_in_dim3A_258 = vector.broadcast %jit3A_257 : f32 to vector<128x4096xf32>
    %select_n3A_259 = arith.select %eq3A_256, %broadcast_in_dim3A_258, %select_n3A_243 : vector<128x4096xi1>, vector<128x4096xf32>
    %reduce_min3A_260 = arith.constant dense<0x7F800000> : vector<128xf32>
    %reduce_min3A_261 = vector.multi_reduction <minimumf>, %select_n3A_259, %reduce_min3A_260 [1] : vector<128x4096xf32> to vector<128xf32>
    %broadcast_in_dim3A_262 = vector.shape_cast %reduce_min3A_261 : vector<128xf32> to vector<128x1xf32>
    %eq3A_263 = vector.broadcast %broadcast_in_dim3A_262 : vector<128x1xf32> to vector<128x4096xf32>
    %eq3A_264 = arith.cmpf oeq, %select_n3A_259, %eq3A_263 : vector<128x4096xf32>
    %jit3A_265 = arith.constant 1073741824 : i32
    %broadcast_in_dim3A_266 = vector.broadcast %jit3A_265 : i32 to vector<128x4096xi32>
    %select_n3A_267 = arith.select %eq3A_264, %reshape3A, %broadcast_in_dim3A_266 : vector<128x4096xi1>, vector<128x4096xi32>
    %reduce_min3A_268 = arith.constant dense<2147483647> : vector<128xi32>
    %reduce_min3A_269 = vector.multi_reduction <minsi>, %select_n3A_267, %reduce_min3A_268 [1] : vector<128x4096xi32> to vector<128xi32>
    %broadcast_in_dim3A_270 = vector.shape_cast %reduce_min3A_269 : vector<128xi32> to vector<128x1xi32>
    %eq3A_271 = vector.broadcast %broadcast_in_dim3A_270 : vector<128x1xi32> to vector<128x4096xi32>
    %eq3A_272 = arith.cmpi eq, %reshape3A, %eq3A_271 : vector<128x4096xi32>
    %jit3A_273 = arith.constant 0x7F800000 : f32
    %broadcast_in_dim3A_274 = vector.broadcast %jit3A_273 : f32 to vector<128x4096xf32>
    %select_n3A_275 = arith.select %eq3A_272, %broadcast_in_dim3A_274, %select_n3A_259 : vector<128x4096xi1>, vector<128x4096xf32>
    %reduce_min3A_276 = arith.constant dense<0x7F800000> : vector<128xf32>
    %reduce_min3A_277 = vector.multi_reduction <minimumf>, %select_n3A_275, %reduce_min3A_276 [1] : vector<128x4096xf32> to vector<128xf32>
    %broadcast_in_dim3A_278 = vector.shape_cast %reduce_min3A_277 : vector<128xf32> to vector<128x1xf32>
    %eq3A_279 = vector.broadcast %broadcast_in_dim3A_278 : vector<128x1xf32> to vector<128x4096xf32>
    %eq3A_280 = arith.cmpf oeq, %select_n3A_275, %eq3A_279 : vector<128x4096xf32>
    %jit3A_281 = arith.constant 1073741824 : i32
    %broadcast_in_dim3A_282 = vector.broadcast %jit3A_281 : i32 to vector<128x4096xi32>
    %select_n3A_283 = arith.select %eq3A_280, %reshape3A, %broadcast_in_dim3A_282 : vector<128x4096xi1>, vector<128x4096xi32>
    %reduce_min3A_284 = arith.constant dense<2147483647> : vector<128xi32>
    %reduce_min3A_285 = vector.multi_reduction <minsi>, %select_n3A_283, %reduce_min3A_284 [1] : vector<128x4096xi32> to vector<128xi32>
    %broadcast_in_dim3A_286 = vector.shape_cast %reduce_min3A_285 : vector<128xi32> to vector<128x1xi32>
    %eq3A_287 = vector.broadcast %broadcast_in_dim3A_286 : vector<128x1xi32> to vector<128x4096xi32>
    %eq3A_288 = arith.cmpi eq, %reshape3A, %eq3A_287 : vector<128x4096xi32>
    %jit3A_289 = arith.constant 0x7F800000 : f32
    %broadcast_in_dim3A_290 = vector.broadcast %jit3A_289 : f32 to vector<128x4096xf32>
    %select_n3A_291 = arith.select %eq3A_288, %broadcast_in_dim3A_290, %select_n3A_275 : vector<128x4096xi1>, vector<128x4096xf32>
    %reduce_min3A_292 = arith.constant dense<0x7F800000> : vector<128xf32>
    %reduce_min3A_293 = vector.multi_reduction <minimumf>, %select_n3A_291, %reduce_min3A_292 [1] : vector<128x4096xf32> to vector<128xf32>
    %broadcast_in_dim3A_294 = vector.shape_cast %reduce_min3A_293 : vector<128xf32> to vector<128x1xf32>
    %eq3A_295 = vector.broadcast %broadcast_in_dim3A_294 : vector<128x1xf32> to vector<128x4096xf32>
    %eq3A_296 = arith.cmpf oeq, %select_n3A_291, %eq3A_295 : vector<128x4096xf32>
    %jit3A_297 = arith.constant 1073741824 : i32
    %broadcast_in_dim3A_298 = vector.broadcast %jit3A_297 : i32 to vector<128x4096xi32>
    %select_n3A_299 = arith.select %eq3A_296, %reshape3A, %broadcast_in_dim3A_298 : vector<128x4096xi1>, vector<128x4096xi32>
    %reduce_min3A_300 = arith.constant dense<2147483647> : vector<128xi32>
    %reduce_min3A_301 = vector.multi_reduction <minsi>, %select_n3A_299, %reduce_min3A_300 [1] : vector<128x4096xi32> to vector<128xi32>
    %broadcast_in_dim3A_302 = vector.shape_cast %reduce_min3A_301 : vector<128xi32> to vector<128x1xi32>
    %eq3A_303 = vector.broadcast %broadcast_in_dim3A_302 : vector<128x1xi32> to vector<128x4096xi32>
    %eq3A_304 = arith.cmpi eq, %reshape3A, %eq3A_303 : vector<128x4096xi32>
    %jit3A_305 = arith.constant 0x7F800000 : f32
    %broadcast_in_dim3A_306 = vector.broadcast %jit3A_305 : f32 to vector<128x4096xf32>
    %select_n3A_307 = arith.select %eq3A_304, %broadcast_in_dim3A_306, %select_n3A_291 : vector<128x4096xi1>, vector<128x4096xf32>
    %reduce_min3A_308 = arith.constant dense<0x7F800000> : vector<128xf32>
    %reduce_min3A_309 = vector.multi_reduction <minimumf>, %select_n3A_307, %reduce_min3A_308 [1] : vector<128x4096xf32> to vector<128xf32>
    %broadcast_in_dim3A_310 = vector.shape_cast %reduce_min3A_309 : vector<128xf32> to vector<128x1xf32>
    %eq3A_311 = vector.broadcast %broadcast_in_dim3A_310 : vector<128x1xf32> to vector<128x4096xf32>
    %eq3A_312 = arith.cmpf oeq, %select_n3A_307, %eq3A_311 : vector<128x4096xf32>
    %jit3A_313 = arith.constant 1073741824 : i32
    %broadcast_in_dim3A_314 = vector.broadcast %jit3A_313 : i32 to vector<128x4096xi32>
    %select_n3A_315 = arith.select %eq3A_312, %reshape3A, %broadcast_in_dim3A_314 : vector<128x4096xi1>, vector<128x4096xi32>
    %reduce_min3A_316 = arith.constant dense<2147483647> : vector<128xi32>
    %reduce_min3A_317 = vector.multi_reduction <minsi>, %select_n3A_315, %reduce_min3A_316 [1] : vector<128x4096xi32> to vector<128xi32>
    %broadcast_in_dim3A_318 = vector.shape_cast %reduce_min3A_317 : vector<128xi32> to vector<128x1xi32>
    %eq3A_319 = vector.broadcast %broadcast_in_dim3A_318 : vector<128x1xi32> to vector<128x4096xi32>
    %eq3A_320 = arith.cmpi eq, %reshape3A, %eq3A_319 : vector<128x4096xi32>
    %jit3A_321 = arith.constant 0x7F800000 : f32
    %broadcast_in_dim3A_322 = vector.broadcast %jit3A_321 : f32 to vector<128x4096xf32>
    %select_n3A_323 = arith.select %eq3A_320, %broadcast_in_dim3A_322, %select_n3A_307 : vector<128x4096xi1>, vector<128x4096xf32>
    %reduce_min3A_324 = arith.constant dense<0x7F800000> : vector<128xf32>
    %reduce_min3A_325 = vector.multi_reduction <minimumf>, %select_n3A_323, %reduce_min3A_324 [1] : vector<128x4096xf32> to vector<128xf32>
    %broadcast_in_dim3A_326 = vector.shape_cast %reduce_min3A_325 : vector<128xf32> to vector<128x1xf32>
    %eq3A_327 = vector.broadcast %broadcast_in_dim3A_326 : vector<128x1xf32> to vector<128x4096xf32>
    %eq3A_328 = arith.cmpf oeq, %select_n3A_323, %eq3A_327 : vector<128x4096xf32>
    %jit3A_329 = arith.constant 1073741824 : i32
    %broadcast_in_dim3A_330 = vector.broadcast %jit3A_329 : i32 to vector<128x4096xi32>
    %select_n3A_331 = arith.select %eq3A_328, %reshape3A, %broadcast_in_dim3A_330 : vector<128x4096xi1>, vector<128x4096xi32>
    %reduce_min3A_332 = arith.constant dense<2147483647> : vector<128xi32>
    %reduce_min3A_333 = vector.multi_reduction <minsi>, %select_n3A_331, %reduce_min3A_332 [1] : vector<128x4096xi32> to vector<128xi32>
    %broadcast_in_dim3A_334 = vector.shape_cast %reduce_min3A_333 : vector<128xi32> to vector<128x1xi32>
    %eq3A_335 = vector.broadcast %broadcast_in_dim3A_334 : vector<128x1xi32> to vector<128x4096xi32>
    %eq3A_336 = arith.cmpi eq, %reshape3A, %eq3A_335 : vector<128x4096xi32>
    %jit3A_337 = arith.constant 0x7F800000 : f32
    %broadcast_in_dim3A_338 = vector.broadcast %jit3A_337 : f32 to vector<128x4096xf32>
    %select_n3A_339 = arith.select %eq3A_336, %broadcast_in_dim3A_338, %select_n3A_323 : vector<128x4096xi1>, vector<128x4096xf32>
    %reduce_min3A_340 = arith.constant dense<0x7F800000> : vector<128xf32>
    %reduce_min3A_341 = vector.multi_reduction <minimumf>, %select_n3A_339, %reduce_min3A_340 [1] : vector<128x4096xf32> to vector<128xf32>
    %broadcast_in_dim3A_342 = vector.shape_cast %reduce_min3A_341 : vector<128xf32> to vector<128x1xf32>
    %eq3A_343 = vector.broadcast %broadcast_in_dim3A_342 : vector<128x1xf32> to vector<128x4096xf32>
    %eq3A_344 = arith.cmpf oeq, %select_n3A_339, %eq3A_343 : vector<128x4096xf32>
    %jit3A_345 = arith.constant 1073741824 : i32
    %broadcast_in_dim3A_346 = vector.broadcast %jit3A_345 : i32 to vector<128x4096xi32>
    %select_n3A_347 = arith.select %eq3A_344, %reshape3A, %broadcast_in_dim3A_346 : vector<128x4096xi1>, vector<128x4096xi32>
    %reduce_min3A_348 = arith.constant dense<2147483647> : vector<128xi32>
    %reduce_min3A_349 = vector.multi_reduction <minsi>, %select_n3A_347, %reduce_min3A_348 [1] : vector<128x4096xi32> to vector<128xi32>
    %broadcast_in_dim3A_350 = vector.shape_cast %reduce_min3A_349 : vector<128xi32> to vector<128x1xi32>
    %eq3A_351 = vector.broadcast %broadcast_in_dim3A_350 : vector<128x1xi32> to vector<128x4096xi32>
    %eq3A_352 = arith.cmpi eq, %reshape3A, %eq3A_351 : vector<128x4096xi32>
    %jit3A_353 = arith.constant 0x7F800000 : f32
    %broadcast_in_dim3A_354 = vector.broadcast %jit3A_353 : f32 to vector<128x4096xf32>
    %select_n3A_355 = arith.select %eq3A_352, %broadcast_in_dim3A_354, %select_n3A_339 : vector<128x4096xi1>, vector<128x4096xf32>
    %reduce_min3A_356 = arith.constant dense<0x7F800000> : vector<128xf32>
    %reduce_min3A_357 = vector.multi_reduction <minimumf>, %select_n3A_355, %reduce_min3A_356 [1] : vector<128x4096xf32> to vector<128xf32>
    %broadcast_in_dim3A_358 = vector.shape_cast %reduce_min3A_357 : vector<128xf32> to vector<128x1xf32>
    %eq3A_359 = vector.broadcast %broadcast_in_dim3A_358 : vector<128x1xf32> to vector<128x4096xf32>
    %eq3A_360 = arith.cmpf oeq, %select_n3A_355, %eq3A_359 : vector<128x4096xf32>
    %jit3A_361 = arith.constant 1073741824 : i32
    %broadcast_in_dim3A_362 = vector.broadcast %jit3A_361 : i32 to vector<128x4096xi32>
    %select_n3A_363 = arith.select %eq3A_360, %reshape3A, %broadcast_in_dim3A_362 : vector<128x4096xi1>, vector<128x4096xi32>
    %reduce_min3A_364 = arith.constant dense<2147483647> : vector<128xi32>
    %reduce_min3A_365 = vector.multi_reduction <minsi>, %select_n3A_363, %reduce_min3A_364 [1] : vector<128x4096xi32> to vector<128xi32>
    %broadcast_in_dim3A_366 = vector.shape_cast %reduce_min3A_365 : vector<128xi32> to vector<128x1xi32>
    %eq3A_367 = vector.broadcast %broadcast_in_dim3A_366 : vector<128x1xi32> to vector<128x4096xi32>
    %eq3A_368 = arith.cmpi eq, %reshape3A, %eq3A_367 : vector<128x4096xi32>
    %jit3A_369 = arith.constant 0x7F800000 : f32
    %broadcast_in_dim3A_370 = vector.broadcast %jit3A_369 : f32 to vector<128x4096xf32>
    %select_n3A_371 = arith.select %eq3A_368, %broadcast_in_dim3A_370, %select_n3A_355 : vector<128x4096xi1>, vector<128x4096xf32>
    %reduce_min3A_372 = arith.constant dense<0x7F800000> : vector<128xf32>
    %reduce_min3A_373 = vector.multi_reduction <minimumf>, %select_n3A_371, %reduce_min3A_372 [1] : vector<128x4096xf32> to vector<128xf32>
    %broadcast_in_dim3A_374 = vector.shape_cast %reduce_min3A_373 : vector<128xf32> to vector<128x1xf32>
    %eq3A_375 = vector.broadcast %broadcast_in_dim3A_374 : vector<128x1xf32> to vector<128x4096xf32>
    %eq3A_376 = arith.cmpf oeq, %select_n3A_371, %eq3A_375 : vector<128x4096xf32>
    %jit3A_377 = arith.constant 1073741824 : i32
    %broadcast_in_dim3A_378 = vector.broadcast %jit3A_377 : i32 to vector<128x4096xi32>
    %select_n3A_379 = arith.select %eq3A_376, %reshape3A, %broadcast_in_dim3A_378 : vector<128x4096xi1>, vector<128x4096xi32>
    %reduce_min3A_380 = arith.constant dense<2147483647> : vector<128xi32>
    %reduce_min3A_381 = vector.multi_reduction <minsi>, %select_n3A_379, %reduce_min3A_380 [1] : vector<128x4096xi32> to vector<128xi32>
    %broadcast_in_dim3A_382 = vector.shape_cast %reduce_min3A_381 : vector<128xi32> to vector<128x1xi32>
    %eq3A_383 = vector.broadcast %broadcast_in_dim3A_382 : vector<128x1xi32> to vector<128x4096xi32>
    %eq3A_384 = arith.cmpi eq, %reshape3A, %eq3A_383 : vector<128x4096xi32>
    %jit3A_385 = arith.constant 0x7F800000 : f32
    %broadcast_in_dim3A_386 = vector.broadcast %jit3A_385 : f32 to vector<128x4096xf32>
    %select_n3A_387 = arith.select %eq3A_384, %broadcast_in_dim3A_386, %select_n3A_371 : vector<128x4096xi1>, vector<128x4096xf32>
    %reduce_min3A_388 = arith.constant dense<0x7F800000> : vector<128xf32>
    %reduce_min3A_389 = vector.multi_reduction <minimumf>, %select_n3A_387, %reduce_min3A_388 [1] : vector<128x4096xf32> to vector<128xf32>
    %broadcast_in_dim3A_390 = vector.shape_cast %reduce_min3A_389 : vector<128xf32> to vector<128x1xf32>
    %eq3A_391 = vector.broadcast %broadcast_in_dim3A_390 : vector<128x1xf32> to vector<128x4096xf32>
    %eq3A_392 = arith.cmpf oeq, %select_n3A_387, %eq3A_391 : vector<128x4096xf32>
    %jit3A_393 = arith.constant 1073741824 : i32
    %broadcast_in_dim3A_394 = vector.broadcast %jit3A_393 : i32 to vector<128x4096xi32>
    %select_n3A_395 = arith.select %eq3A_392, %reshape3A, %broadcast_in_dim3A_394 : vector<128x4096xi1>, vector<128x4096xi32>
    %reduce_min3A_396 = arith.constant dense<2147483647> : vector<128xi32>
    %reduce_min3A_397 = vector.multi_reduction <minsi>, %select_n3A_395, %reduce_min3A_396 [1] : vector<128x4096xi32> to vector<128xi32>
    %broadcast_in_dim3A_398 = vector.shape_cast %reduce_min3A_397 : vector<128xi32> to vector<128x1xi32>
    %eq3A_399 = vector.broadcast %broadcast_in_dim3A_398 : vector<128x1xi32> to vector<128x4096xi32>
    %eq3A_400 = arith.cmpi eq, %reshape3A, %eq3A_399 : vector<128x4096xi32>
    %jit3A_401 = arith.constant 0x7F800000 : f32
    %broadcast_in_dim3A_402 = vector.broadcast %jit3A_401 : f32 to vector<128x4096xf32>
    %select_n3A_403 = arith.select %eq3A_400, %broadcast_in_dim3A_402, %select_n3A_387 : vector<128x4096xi1>, vector<128x4096xf32>
    %reduce_min3A_404 = arith.constant dense<0x7F800000> : vector<128xf32>
    %reduce_min3A_405 = vector.multi_reduction <minimumf>, %select_n3A_403, %reduce_min3A_404 [1] : vector<128x4096xf32> to vector<128xf32>
    %broadcast_in_dim3A_406 = vector.shape_cast %reduce_min3A_405 : vector<128xf32> to vector<128x1xf32>
    %eq3A_407 = vector.broadcast %broadcast_in_dim3A_406 : vector<128x1xf32> to vector<128x4096xf32>
    %eq3A_408 = arith.cmpf oeq, %select_n3A_403, %eq3A_407 : vector<128x4096xf32>
    %jit3A_409 = arith.constant 1073741824 : i32
    %broadcast_in_dim3A_410 = vector.broadcast %jit3A_409 : i32 to vector<128x4096xi32>
    %select_n3A_411 = arith.select %eq3A_408, %reshape3A, %broadcast_in_dim3A_410 : vector<128x4096xi1>, vector<128x4096xi32>
    %reduce_min3A_412 = arith.constant dense<2147483647> : vector<128xi32>
    %reduce_min3A_413 = vector.multi_reduction <minsi>, %select_n3A_411, %reduce_min3A_412 [1] : vector<128x4096xi32> to vector<128xi32>
    %broadcast_in_dim3A_414 = vector.shape_cast %reduce_min3A_413 : vector<128xi32> to vector<128x1xi32>
    %eq3A_415 = vector.broadcast %broadcast_in_dim3A_414 : vector<128x1xi32> to vector<128x4096xi32>
    %eq3A_416 = arith.cmpi eq, %reshape3A, %eq3A_415 : vector<128x4096xi32>
    %jit3A_417 = arith.constant 0x7F800000 : f32
    %broadcast_in_dim3A_418 = vector.broadcast %jit3A_417 : f32 to vector<128x4096xf32>
    %select_n3A_419 = arith.select %eq3A_416, %broadcast_in_dim3A_418, %select_n3A_403 : vector<128x4096xi1>, vector<128x4096xf32>
    %reduce_min3A_420 = arith.constant dense<0x7F800000> : vector<128xf32>
    %reduce_min3A_421 = vector.multi_reduction <minimumf>, %select_n3A_419, %reduce_min3A_420 [1] : vector<128x4096xf32> to vector<128xf32>
    %broadcast_in_dim3A_422 = vector.shape_cast %reduce_min3A_421 : vector<128xf32> to vector<128x1xf32>
    %eq3A_423 = vector.broadcast %broadcast_in_dim3A_422 : vector<128x1xf32> to vector<128x4096xf32>
    %eq3A_424 = arith.cmpf oeq, %select_n3A_419, %eq3A_423 : vector<128x4096xf32>
    %jit3A_425 = arith.constant 1073741824 : i32
    %broadcast_in_dim3A_426 = vector.broadcast %jit3A_425 : i32 to vector<128x4096xi32>
    %select_n3A_427 = arith.select %eq3A_424, %reshape3A, %broadcast_in_dim3A_426 : vector<128x4096xi1>, vector<128x4096xi32>
    %reduce_min3A_428 = arith.constant dense<2147483647> : vector<128xi32>
    %reduce_min3A_429 = vector.multi_reduction <minsi>, %select_n3A_427, %reduce_min3A_428 [1] : vector<128x4096xi32> to vector<128xi32>
    %broadcast_in_dim3A_430 = vector.shape_cast %reduce_min3A_429 : vector<128xi32> to vector<128x1xi32>
    %eq3A_431 = vector.broadcast %broadcast_in_dim3A_430 : vector<128x1xi32> to vector<128x4096xi32>
    %eq3A_432 = arith.cmpi eq, %reshape3A, %eq3A_431 : vector<128x4096xi32>
    %jit3A_433 = arith.constant 0x7F800000 : f32
    %broadcast_in_dim3A_434 = vector.broadcast %jit3A_433 : f32 to vector<128x4096xf32>
    %select_n3A_435 = arith.select %eq3A_432, %broadcast_in_dim3A_434, %select_n3A_419 : vector<128x4096xi1>, vector<128x4096xf32>
    %reduce_min3A_436 = arith.constant dense<0x7F800000> : vector<128xf32>
    %reduce_min3A_437 = vector.multi_reduction <minimumf>, %select_n3A_435, %reduce_min3A_436 [1] : vector<128x4096xf32> to vector<128xf32>
    %broadcast_in_dim3A_438 = vector.shape_cast %reduce_min3A_437 : vector<128xf32> to vector<128x1xf32>
    %eq3A_439 = vector.broadcast %broadcast_in_dim3A_438 : vector<128x1xf32> to vector<128x4096xf32>
    %eq3A_440 = arith.cmpf oeq, %select_n3A_435, %eq3A_439 : vector<128x4096xf32>
    %jit3A_441 = arith.constant 1073741824 : i32
    %broadcast_in_dim3A_442 = vector.broadcast %jit3A_441 : i32 to vector<128x4096xi32>
    %select_n3A_443 = arith.select %eq3A_440, %reshape3A, %broadcast_in_dim3A_442 : vector<128x4096xi1>, vector<128x4096xi32>
    %reduce_min3A_444 = arith.constant dense<2147483647> : vector<128xi32>
    %reduce_min3A_445 = vector.multi_reduction <minsi>, %select_n3A_443, %reduce_min3A_444 [1] : vector<128x4096xi32> to vector<128xi32>
    %broadcast_in_dim3A_446 = vector.shape_cast %reduce_min3A_445 : vector<128xi32> to vector<128x1xi32>
    %eq3A_447 = vector.broadcast %broadcast_in_dim3A_446 : vector<128x1xi32> to vector<128x4096xi32>
    %eq3A_448 = arith.cmpi eq, %reshape3A, %eq3A_447 : vector<128x4096xi32>
    %jit3A_449 = arith.constant 0x7F800000 : f32
    %broadcast_in_dim3A_450 = vector.broadcast %jit3A_449 : f32 to vector<128x4096xf32>
    %select_n3A_451 = arith.select %eq3A_448, %broadcast_in_dim3A_450, %select_n3A_435 : vector<128x4096xi1>, vector<128x4096xf32>
    %reduce_min3A_452 = arith.constant dense<0x7F800000> : vector<128xf32>
    %reduce_min3A_453 = vector.multi_reduction <minimumf>, %select_n3A_451, %reduce_min3A_452 [1] : vector<128x4096xf32> to vector<128xf32>
    %broadcast_in_dim3A_454 = vector.shape_cast %reduce_min3A_453 : vector<128xf32> to vector<128x1xf32>
    %eq3A_455 = vector.broadcast %broadcast_in_dim3A_454 : vector<128x1xf32> to vector<128x4096xf32>
    %eq3A_456 = arith.cmpf oeq, %select_n3A_451, %eq3A_455 : vector<128x4096xf32>
    %jit3A_457 = arith.constant 1073741824 : i32
    %broadcast_in_dim3A_458 = vector.broadcast %jit3A_457 : i32 to vector<128x4096xi32>
    %select_n3A_459 = arith.select %eq3A_456, %reshape3A, %broadcast_in_dim3A_458 : vector<128x4096xi1>, vector<128x4096xi32>
    %reduce_min3A_460 = arith.constant dense<2147483647> : vector<128xi32>
    %reduce_min3A_461 = vector.multi_reduction <minsi>, %select_n3A_459, %reduce_min3A_460 [1] : vector<128x4096xi32> to vector<128xi32>
    %broadcast_in_dim3A_462 = vector.shape_cast %reduce_min3A_461 : vector<128xi32> to vector<128x1xi32>
    %eq3A_463 = vector.broadcast %broadcast_in_dim3A_462 : vector<128x1xi32> to vector<128x4096xi32>
    %eq3A_464 = arith.cmpi eq, %reshape3A, %eq3A_463 : vector<128x4096xi32>
    %jit3A_465 = arith.constant 0x7F800000 : f32
    %broadcast_in_dim3A_466 = vector.broadcast %jit3A_465 : f32 to vector<128x4096xf32>
    %select_n3A_467 = arith.select %eq3A_464, %broadcast_in_dim3A_466, %select_n3A_451 : vector<128x4096xi1>, vector<128x4096xf32>
    %reduce_min3A_468 = arith.constant dense<0x7F800000> : vector<128xf32>
    %reduce_min3A_469 = vector.multi_reduction <minimumf>, %select_n3A_467, %reduce_min3A_468 [1] : vector<128x4096xf32> to vector<128xf32>
    %broadcast_in_dim3A_470 = vector.shape_cast %reduce_min3A_469 : vector<128xf32> to vector<128x1xf32>
    %eq3A_471 = vector.broadcast %broadcast_in_dim3A_470 : vector<128x1xf32> to vector<128x4096xf32>
    %eq3A_472 = arith.cmpf oeq, %select_n3A_467, %eq3A_471 : vector<128x4096xf32>
    %jit3A_473 = arith.constant 1073741824 : i32
    %broadcast_in_dim3A_474 = vector.broadcast %jit3A_473 : i32 to vector<128x4096xi32>
    %select_n3A_475 = arith.select %eq3A_472, %reshape3A, %broadcast_in_dim3A_474 : vector<128x4096xi1>, vector<128x4096xi32>
    %reduce_min3A_476 = arith.constant dense<2147483647> : vector<128xi32>
    %reduce_min3A_477 = vector.multi_reduction <minsi>, %select_n3A_475, %reduce_min3A_476 [1] : vector<128x4096xi32> to vector<128xi32>
    %broadcast_in_dim3A_478 = vector.shape_cast %reduce_min3A_477 : vector<128xi32> to vector<128x1xi32>
    %eq3A_479 = vector.broadcast %broadcast_in_dim3A_478 : vector<128x1xi32> to vector<128x4096xi32>
    %eq3A_480 = arith.cmpi eq, %reshape3A, %eq3A_479 : vector<128x4096xi32>
    %jit3A_481 = arith.constant 0x7F800000 : f32
    %broadcast_in_dim3A_482 = vector.broadcast %jit3A_481 : f32 to vector<128x4096xf32>
    %select_n3A_483 = arith.select %eq3A_480, %broadcast_in_dim3A_482, %select_n3A_467 : vector<128x4096xi1>, vector<128x4096xf32>
    %reduce_min3A_484 = arith.constant dense<0x7F800000> : vector<128xf32>
    %reduce_min3A_485 = vector.multi_reduction <minimumf>, %select_n3A_483, %reduce_min3A_484 [1] : vector<128x4096xf32> to vector<128xf32>
    %broadcast_in_dim3A_486 = vector.shape_cast %reduce_min3A_485 : vector<128xf32> to vector<128x1xf32>
    %eq3A_487 = vector.broadcast %broadcast_in_dim3A_486 : vector<128x1xf32> to vector<128x4096xf32>
    %eq3A_488 = arith.cmpf oeq, %select_n3A_483, %eq3A_487 : vector<128x4096xf32>
    %jit3A_489 = arith.constant 1073741824 : i32
    %broadcast_in_dim3A_490 = vector.broadcast %jit3A_489 : i32 to vector<128x4096xi32>
    %select_n3A_491 = arith.select %eq3A_488, %reshape3A, %broadcast_in_dim3A_490 : vector<128x4096xi1>, vector<128x4096xi32>
    %reduce_min3A_492 = arith.constant dense<2147483647> : vector<128xi32>
    %reduce_min3A_493 = vector.multi_reduction <minsi>, %select_n3A_491, %reduce_min3A_492 [1] : vector<128x4096xi32> to vector<128xi32>
    %broadcast_in_dim3A_494 = vector.shape_cast %reduce_min3A_493 : vector<128xi32> to vector<128x1xi32>
    %eq3A_495 = vector.broadcast %broadcast_in_dim3A_494 : vector<128x1xi32> to vector<128x4096xi32>
    %eq3A_496 = arith.cmpi eq, %reshape3A, %eq3A_495 : vector<128x4096xi32>
    %jit3A_497 = arith.constant 0x7F800000 : f32
    %broadcast_in_dim3A_498 = vector.broadcast %jit3A_497 : f32 to vector<128x4096xf32>
    %select_n3A_499 = arith.select %eq3A_496, %broadcast_in_dim3A_498, %select_n3A_483 : vector<128x4096xi1>, vector<128x4096xf32>
    %reduce_min3A_500 = arith.constant dense<0x7F800000> : vector<128xf32>
    %reduce_min3A_501 = vector.multi_reduction <minimumf>, %select_n3A_499, %reduce_min3A_500 [1] : vector<128x4096xf32> to vector<128xf32>
    %broadcast_in_dim3A_502 = vector.shape_cast %reduce_min3A_501 : vector<128xf32> to vector<128x1xf32>
    %eq3A_503 = vector.broadcast %broadcast_in_dim3A_502 : vector<128x1xf32> to vector<128x4096xf32>
    %eq3A_504 = arith.cmpf oeq, %select_n3A_499, %eq3A_503 : vector<128x4096xf32>
    %jit3A_505 = arith.constant 1073741824 : i32
    %broadcast_in_dim3A_506 = vector.broadcast %jit3A_505 : i32 to vector<128x4096xi32>
    %select_n3A_507 = arith.select %eq3A_504, %reshape3A, %broadcast_in_dim3A_506 : vector<128x4096xi1>, vector<128x4096xi32>
    %reduce_min3A_508 = arith.constant dense<2147483647> : vector<128xi32>
    %reduce_min3A_509 = vector.multi_reduction <minsi>, %select_n3A_507, %reduce_min3A_508 [1] : vector<128x4096xi32> to vector<128xi32>
    %broadcast_in_dim3A_510 = vector.shape_cast %reduce_min3A_509 : vector<128xi32> to vector<128x1xi32>
    %eq3A_511 = vector.broadcast %broadcast_in_dim3A_510 : vector<128x1xi32> to vector<128x4096xi32>
    %eq3A_512 = arith.cmpi eq, %reshape3A, %eq3A_511 : vector<128x4096xi32>
    %jit3A_513 = arith.constant 0x7F800000 : f32
    %broadcast_in_dim3A_514 = vector.broadcast %jit3A_513 : f32 to vector<128x4096xf32>
    %select_n3A_515 = arith.select %eq3A_512, %broadcast_in_dim3A_514, %select_n3A_499 : vector<128x4096xi1>, vector<128x4096xf32>
    %reduce_min3A_516 = arith.constant dense<0x7F800000> : vector<128xf32>
    %reduce_min3A_517 = vector.multi_reduction <minimumf>, %select_n3A_515, %reduce_min3A_516 [1] : vector<128x4096xf32> to vector<128xf32>
    %broadcast_in_dim3A_518 = vector.shape_cast %reduce_min3A_517 : vector<128xf32> to vector<128x1xf32>
    %eq3A_519 = vector.broadcast %broadcast_in_dim3A_518 : vector<128x1xf32> to vector<128x4096xf32>
    %eq3A_520 = arith.cmpf oeq, %select_n3A_515, %eq3A_519 : vector<128x4096xf32>
    %jit3A_521 = arith.constant 1073741824 : i32
    %broadcast_in_dim3A_522 = vector.broadcast %jit3A_521 : i32 to vector<128x4096xi32>
    %select_n3A_523 = arith.select %eq3A_520, %reshape3A, %broadcast_in_dim3A_522 : vector<128x4096xi1>, vector<128x4096xi32>
    %reduce_min3A_524 = arith.constant dense<2147483647> : vector<128xi32>
    %reduce_min3A_525 = vector.multi_reduction <minsi>, %select_n3A_523, %reduce_min3A_524 [1] : vector<128x4096xi32> to vector<128xi32>
    %broadcast_in_dim3A_526 = vector.shape_cast %reduce_min3A_525 : vector<128xi32> to vector<128x1xi32>
    %eq3A_527 = vector.broadcast %broadcast_in_dim3A_526 : vector<128x1xi32> to vector<128x4096xi32>
    %eq3A_528 = arith.cmpi eq, %reshape3A, %eq3A_527 : vector<128x4096xi32>
    %jit3A_529 = arith.constant 0x7F800000 : f32
    %broadcast_in_dim3A_530 = vector.broadcast %jit3A_529 : f32 to vector<128x4096xf32>
    %select_n3A_531 = arith.select %eq3A_528, %broadcast_in_dim3A_530, %select_n3A_515 : vector<128x4096xi1>, vector<128x4096xf32>
    %reduce_min3A_532 = arith.constant dense<0x7F800000> : vector<128xf32>
    %reduce_min3A_533 = vector.multi_reduction <minimumf>, %select_n3A_531, %reduce_min3A_532 [1] : vector<128x4096xf32> to vector<128xf32>
    %broadcast_in_dim3A_534 = vector.shape_cast %reduce_min3A_533 : vector<128xf32> to vector<128x1xf32>
    %eq3A_535 = vector.broadcast %broadcast_in_dim3A_534 : vector<128x1xf32> to vector<128x4096xf32>
    %eq3A_536 = arith.cmpf oeq, %select_n3A_531, %eq3A_535 : vector<128x4096xf32>
    %jit3A_537 = arith.constant 1073741824 : i32
    %broadcast_in_dim3A_538 = vector.broadcast %jit3A_537 : i32 to vector<128x4096xi32>
    %select_n3A_539 = arith.select %eq3A_536, %reshape3A, %broadcast_in_dim3A_538 : vector<128x4096xi1>, vector<128x4096xi32>
    %reduce_min3A_540 = arith.constant dense<2147483647> : vector<128xi32>
    %reduce_min3A_541 = vector.multi_reduction <minsi>, %select_n3A_539, %reduce_min3A_540 [1] : vector<128x4096xi32> to vector<128xi32>
    %broadcast_in_dim3A_542 = vector.shape_cast %reduce_min3A_541 : vector<128xi32> to vector<128x1xi32>
    %eq3A_543 = vector.broadcast %broadcast_in_dim3A_542 : vector<128x1xi32> to vector<128x4096xi32>
    %eq3A_544 = arith.cmpi eq, %reshape3A, %eq3A_543 : vector<128x4096xi32>
    %jit3A_545 = arith.constant 0x7F800000 : f32
    %broadcast_in_dim3A_546 = vector.broadcast %jit3A_545 : f32 to vector<128x4096xf32>
    %select_n3A_547 = arith.select %eq3A_544, %broadcast_in_dim3A_546, %select_n3A_531 : vector<128x4096xi1>, vector<128x4096xf32>
    %reduce_min3A_548 = arith.constant dense<0x7F800000> : vector<128xf32>
    %reduce_min3A_549 = vector.multi_reduction <minimumf>, %select_n3A_547, %reduce_min3A_548 [1] : vector<128x4096xf32> to vector<128xf32>
    %broadcast_in_dim3A_550 = vector.shape_cast %reduce_min3A_549 : vector<128xf32> to vector<128x1xf32>
    %eq3A_551 = vector.broadcast %broadcast_in_dim3A_550 : vector<128x1xf32> to vector<128x4096xf32>
    %eq3A_552 = arith.cmpf oeq, %select_n3A_547, %eq3A_551 : vector<128x4096xf32>
    %jit3A_553 = arith.constant 1073741824 : i32
    %broadcast_in_dim3A_554 = vector.broadcast %jit3A_553 : i32 to vector<128x4096xi32>
    %select_n3A_555 = arith.select %eq3A_552, %reshape3A, %broadcast_in_dim3A_554 : vector<128x4096xi1>, vector<128x4096xi32>
    %reduce_min3A_556 = arith.constant dense<2147483647> : vector<128xi32>
    %reduce_min3A_557 = vector.multi_reduction <minsi>, %select_n3A_555, %reduce_min3A_556 [1] : vector<128x4096xi32> to vector<128xi32>
    %broadcast_in_dim3A_558 = vector.shape_cast %reduce_min3A_557 : vector<128xi32> to vector<128x1xi32>
    %concatenate3A = tpu.concatenate %broadcast_in_dim3A_62, %broadcast_in_dim3A_78, %broadcast_in_dim3A_94, %broadcast_in_dim3A_110, %broadcast_in_dim3A_126, %broadcast_in_dim3A_142, %broadcast_in_dim3A_158, %broadcast_in_dim3A_174, %broadcast_in_dim3A_190, %broadcast_in_dim3A_206, %broadcast_in_dim3A_222, %broadcast_in_dim3A_238, %broadcast_in_dim3A_254, %broadcast_in_dim3A_270, %broadcast_in_dim3A_286, %broadcast_in_dim3A_302, %broadcast_in_dim3A_318, %broadcast_in_dim3A_334, %broadcast_in_dim3A_350, %broadcast_in_dim3A_366, %broadcast_in_dim3A_382, %broadcast_in_dim3A_398, %broadcast_in_dim3A_414, %broadcast_in_dim3A_430, %broadcast_in_dim3A_446, %broadcast_in_dim3A_462, %broadcast_in_dim3A_478, %broadcast_in_dim3A_494, %broadcast_in_dim3A_510, %broadcast_in_dim3A_526, %broadcast_in_dim3A_542, %broadcast_in_dim3A_558 in 1 : vector<128x1xi32>, vector<128x1xi32>, vector<128x1xi32>, vector<128x1xi32>, vector<128x1xi32>, vector<128x1xi32>, vector<128x1xi32>, vector<128x1xi32>, vector<128x1xi32>, vector<128x1xi32>, vector<128x1xi32>, vector<128x1xi32>, vector<128x1xi32>, vector<128x1xi32>, vector<128x1xi32>, vector<128x1xi32>, vector<128x1xi32>, vector<128x1xi32>, vector<128x1xi32>, vector<128x1xi32>, vector<128x1xi32>, vector<128x1xi32>, vector<128x1xi32>, vector<128x1xi32>, vector<128x1xi32>, vector<128x1xi32>, vector<128x1xi32>, vector<128x1xi32>, vector<128x1xi32>, vector<128x1xi32>, vector<128x1xi32>, vector<128x1xi32> -> vector<128x32xi32>
    %concatenate3A_559 = tpu.concatenate %broadcast_in_dim3A_54, %broadcast_in_dim3A_70, %broadcast_in_dim3A_86, %broadcast_in_dim3A_102, %broadcast_in_dim3A_118, %broadcast_in_dim3A_134, %broadcast_in_dim3A_150, %broadcast_in_dim3A_166, %broadcast_in_dim3A_182, %broadcast_in_dim3A_198, %broadcast_in_dim3A_214, %broadcast_in_dim3A_230, %broadcast_in_dim3A_246, %broadcast_in_dim3A_262, %broadcast_in_dim3A_278, %broadcast_in_dim3A_294, %broadcast_in_dim3A_310, %broadcast_in_dim3A_326, %broadcast_in_dim3A_342, %broadcast_in_dim3A_358, %broadcast_in_dim3A_374, %broadcast_in_dim3A_390, %broadcast_in_dim3A_406, %broadcast_in_dim3A_422, %broadcast_in_dim3A_438, %broadcast_in_dim3A_454, %broadcast_in_dim3A_470, %broadcast_in_dim3A_486, %broadcast_in_dim3A_502, %broadcast_in_dim3A_518, %broadcast_in_dim3A_534, %broadcast_in_dim3A_550 in 1 : vector<128x1xf32>, vector<128x1xf32>, vector<128x1xf32>, vector<128x1xf32>, vector<128x1xf32>, vector<128x1xf32>, vector<128x1xf32>, vector<128x1xf32>, vector<128x1xf32>, vector<128x1xf32>, vector<128x1xf32>, vector<128x1xf32>, vector<128x1xf32>, vector<128x1xf32>, vector<128x1xf32>, vector<128x1xf32>, vector<128x1xf32>, vector<128x1xf32>, vector<128x1xf32>, vector<128x1xf32>, vector<128x1xf32>, vector<128x1xf32>, vector<128x1xf32>, vector<128x1xf32>, vector<128x1xf32>, vector<128x1xf32>, vector<128x1xf32>, vector<128x1xf32>, vector<128x1xf32>, vector<128x1xf32>, vector<128x1xf32>, vector<128x1xf32> -> vector<128x32xf32>
    %add3A_560 = arith.constant 9.99999997E-7 : f32
    %add3A_561 = vector.broadcast %add3A_560 : f32 to vector<128x32xf32>
    %add3A_562 = arith.addf %concatenate3A_559, %add3A_561 : vector<128x32xf32>
    %div3A_563 = arith.constant 1.000000e+00 : f32
    %div3A_564 = vector.broadcast %div3A_563 : f32 to vector<128x32xf32>
    %div3A_565 = arith.divf %div3A_564, %add3A_562 : vector<128x32xf32>
    %reduce_sum3A = arith.constant dense<0.000000e+00> : vector<128xf32>
    %reduce_sum3A_566 = vector.multi_reduction <add>, %div3A_565, %reduce_sum3A [1] : vector<128x32xf32> to vector<128xf32>
    %broadcast_in_dim3A_567 = vector.shape_cast %reduce_sum3A_566 : vector<128xf32> to vector<128x1xf32>
    %div3A_568 = vector.broadcast %broadcast_in_dim3A_567 : vector<128x1xf32> to vector<128x32xf32>
    %div3A_569 = arith.divf %div3A_565, %div3A_568 : vector<128x32xf32>
    %swap3A = arith.constant 0 : index
    %swap3A_570 = arith.constant 0 : index
    %swap3A_571 = vector.load %arg4[%swap3A, %swap3A_570] : memref<128x32xf32, #tpu.memory_space<vmem>>, vector<128x32xf32>
    tpu.vector_store %arg4[%swap3A, %swap3A_570], %div3A_569 {strides = array<i32>} : memref<128x32xf32, #tpu.memory_space<vmem>>, vector<128x32xf32>,
    %swap3A_572 = arith.constant 0 : index
    %swap3A_573 = arith.constant 0 : index
    %swap3A_574 = vector.load %arg3[%swap3A_572, %swap3A_573] : memref<128x32xi32, #tpu.memory_space<vmem>>, vector<128x32xi32>
    tpu.vector_store %arg3[%swap3A_572, %swap3A_573], %concatenate3A {strides = array<i32>} : memref<128x32xi32, #tpu.memory_space<vmem>>, vector<128x32xi32>,
    return
  }
  func.func @transform_0(%arg0: i32) -> (i32, i32) {
    %c0_i32 = arith.constant 0 : i32
    %c0_i32_0 = arith.constant 0 : i32
    return %arg0, %c0_i32 : i32, i32
  }
  func.func @transform_1(%arg0: i32) -> (i32, i32) {
    %c0_i32 = arith.constant 0 : i32
    %c0_i32_0 = arith.constant 0 : i32
    return %arg0, %c0_i32 : i32, i32
  }
  func.func @transform_2(%arg0: i32) -> (i32, i32) {
    %c0_i32 = arith.constant 0 : i32
    %c0_i32_0 = arith.constant 0 : i32
    return %arg0, %c0_i32 : i32, i32
  }
  func.func @transform_3(%arg0: i32) -> (i32, i32) {
    %c0_i32 = arith.constant 0 : i32
    %c0_i32_0 = arith.constant 0 : i32
    return %arg0, %c0_i32 : i32, i32
  }
}

</mosaic_0001>

<sc_bundles>
// kernel: kernel.6.cloned.1.call-start
scs
__scs_entry_jumppad:
0x0: {  	(pc) =	sbr.rel $0x88, $3  }
0x1: {  	(tag) =	ssettag $0x0;
	lr =	simm.s32 $0x1  }
0x2: {  	[smem:$0x3F9F] =	sst lr;
	_ =	strace $0xD0000000  }
0x3: {  	_ = 	snop  }
0x4: {  	_ = 	snop  }
0x5: {  	_ = 	snop  }
0x6: {  	_ = 	snop  }
0x7: {  	_ = 	snop  }
__scs_overlays_trampoline_lowered:
0x8: {  	[smem:$0x3FAE] =	sst s0  }
0x9: {  	[smem:$0x3FAF] =	sst s1  }
0xa: {  	[smem:$0x3FB0] =	sst s2  }
0xb: {  	[smem:$0x3FB1] =	sst s3  }
0xc: {  	[smem:$0x3FB2] =	sst s4  }
0xd: {  	[smem:$0x3FB3] =	sst s5  }
0xe: {  	[smem:$0x3FB4] =	sst s6  }
0xf: {  	[smem:$0x3FB5] =	sst s7  }
0x10: {  	[smem:$0x3FB6] =	sst s8  }
0x11: {  	[smem:$0x3FB7] =	sst s9;
	s0 =	simm.s32 @!p0 $0x0  }
0x12: {  	s1 =	sld [smem:$0x3F9D];
	s0 =	simm.s32 @p0 $0x1  }
0x13: {  	[smem:$0x3FB8] =	sst s0;
	s0 =	simm.s32 @!p1 $0x0  }
0x14: {  	s2 =	sld [smem:$0x3F9C];
	s0 =	simm.s32 @p1 $0x1  }
0x15: {  	[smem:$0x3FB9] =	sst s0;
	s0 =	simm.s32 @!p2 $0x0  }
0x16: {  	s3 =	sld [smem:$0x3FDB];
	s0 =	simm.s32 @p2 $0x1  }
0x17: {  	s4 =	simm.s32 $0x1BF5;
	[smem:$0x3FBB] =	sst s0  }
0x18: {  	s0 =	sld [smem:$0x3F9E];
	_ =	swait.ge [sflag:s4], $0x0  }
0x19: {  	s7 =	sld [smem:$0x3F9F]  }
0x1a: {  	s8 =	sadd.s32 $0xFFFFE003, lr  }
0x1b: {  	s9 =	sadd.s32 $0xFFFFFEF7, lr;
	s5 =	simm.s32 $0xFFFFFFFF;
	p2 =	slt.u32 s8, $0xFFFFF086  }
0x1c: {  	p1 =	slt.u32 s9, $0xF7A;
	s5 =	simm.s32 @!p2 $0x0  }
0x1d: {  	s5 =	simm.s32 @p1 $0x1;
	p0 =	seq.s32 s7, s2  }
0x1e: {  	s7 =	smul.u32 @!p0 $0xF7A, s2;
	p2 =	seq.s32 @!p0 s5, $0x0  }
0x1f: {  	s9 =	smul.u32 $0xF7A, s1;
	s8 =	simm.s32 @!p0 $0x1BF5;
	p2 =	por !p2, p0  }
0x20: {  	[sflag:s8] =	ssyncset.s32 @!p0 $0xFFFFF086;
	s6 =	sadd.s32 @!p0 s3, s7;
	s7 =	simm.s32 @!p0 $0x108  }
0x21: {  	s3 =	sadd.s32 s3, s9;
	s6 =	sadd.s32 @!p0 $0x88, s6;
	s7 =	simm.s32 @p2 $0x1082  }
0x22: {  	[simem:s7], [sflag:s8] =	dma.local @!p0 [hbm:s6], $0xF7A  }
0x23: {  	s9 =	sor.u32 $0xD0000000, s2;
	s6 =	simm.s32 $0x108;
	_ =	swait.ge @!p0 [sflag:s8], $0x0  }
0x24: {  	s3 =	sadd.s32 $0x88, s3;
	s6 =	simm.s32 @!p1 $0x1082;
	[sflag:s4] =	ssyncset.s32 $0xFFFFF086  }
0x25: {  	[simem:s6], [sflag:s4] =	dma.local [hbm:s3], $0xF7A  }
0x26: {  	[smem:$0x3F9F] =	sst s1;
	(tag) =	ssettag s2;
	_ =	strace s9  }
0x27: {  	s1 =	sld [smem:$0x3FAF]  }
0x28: {  	s2 =	sld [smem:$0x3FB0]  }
0x29: {  	s4 =	sld [smem:$0x3FB2]  }
0x2a: {  	p0 =	seq.s32 s5, $0x0;
	s5 =	sld [smem:$0x3FB3]  }
0x2b: {  	s6 =	sld [smem:$0x3FB4]  }
0x2c: {  	s7 =	sld [smem:$0x3FB5]  }
0x2d: {  	s3 =	simm.s32 $0x108;
	s8 =	sld [smem:$0x3FB6]  }
0x2e: {  	s3 =	simm.s32 @!p0 $0x1082;
	s9 =	sld [smem:$0x3FB7]  }
0x2f: {  	lr =	sadd.s32 s0, s3;
	s0 =	sld [smem:$0x3FAE]  }
0x30: {  	s3 =	sld [smem:$0x3FB1]  }
0x31: {  	[smem:$0x3FBA] =	sst s10  }
0x32: {  	s10 =	sld [smem:$0x3FB8];
	_ =	sdelay $0x3  }
0x33: {  	p0 =	seq.s32 s10, $0x1;
	s10 =	sld [smem:$0x3FBA];
	_ =	sdelay $0x3  }
0x34: {  	[smem:$0x3FBA] =	sst s10  }
0x35: {  	s10 =	sld [smem:$0x3FB9];
	_ =	sdelay $0x3  }
0x36: {  	p1 =	seq.s32 s10, $0x1;
	s10 =	sld [smem:$0x3FBA];
	_ =	sdelay $0x3  }
0x37: {  	[smem:$0x3FBA] =	sst s10  }
0x38: {  	s10 =	sld [smem:$0x3FBB]  }
0x39: {  	_ = 	snop;
	(pc) =	sbr.ind lr, $3  }
0x3a: {  	_ = 	snop  }
0x3b: {  	_ = 	snop  }
0x3c: {  	p2 =	seq.s32 s10, $0x1;
	s10 =	sld [smem:$0x3FBA]  }
0x3d: {  	_ =	shalt  }
0x3e: {  	_ =	shalt  }
0x3f: {  	_ =	shalt  }
0x40: {  	_ =	shalt  }
0x41: {  	_ =	shalt  }
0x42: {  	_ =	shalt  }
0x43: {  	_ =	shalt  }
0x44: {  	_ =	shalt  }
0x45: {  	_ =	shalt  }
0x46: {  	_ =	shalt  }
0x47: {  	_ =	shalt  }
0x48: {  	_ =	shalt  }
0x49: {  	_ =	shalt  }
0x4a: {  	_ =	shalt  }
0x4b: {  	_ =	shalt  }
0x4c: {  	_ =	shalt  }
0x4d: {  	_ =	shalt  }
0x4e: {  	_ =	shalt  }
0x4f: {  	_ =	shalt  }
0x50: {  	_ =	shalt  }
0x51: {  	_ =	shalt  }
0x52: {  	_ =	shalt  }
0x53: {  	_ =	shalt  }
0x54: {  	_ =	shalt  }
0x55: {  	_ =	shalt  }
0x56: {  	_ =	shalt  }
0x57: {  	_ =	shalt  }
0x58: {  	_ =	shalt  }
0x59: {  	_ =	shalt  }
0x5a: {  	_ =	shalt  }
0x5b: {  	_ =	shalt  }
0x5c: {  	_ =	shalt  }
0x5d: {  	_ =	shalt  }
0x5e: {  	_ =	shalt  }
0x5f: {  	_ =	shalt  }
0x60: {  	_ =	shalt  }
0x61: {  	_ =	shalt  }
0x62: {  	_ =	shalt  }
0x63: {  	_ =	shalt  }
0x64: {  	_ =	shalt  }
0x65: {  	_ =	shalt  }
0x66: {  	_ =	shalt  }
0x67: {  	_ =	shalt  }
0x68: {  	_ =	shalt  }
0x69: {  	_ =	shalt  }
0x6a: {  	_ =	shalt  }
0x6b: {  	_ =	shalt  }
0x6c: {  	_ =	shalt  }
0x6d: {  	_ =	shalt  }
0x6e: {  	_ =	shalt  }
0x6f: {  	_ =	shalt  }
0x70: {  	_ =	shalt  }
0x71: {  	_ =	shalt  }
0x72: {  	_ =	shalt  }
0x73: {  	_ =	shalt  }
0x74: {  	_ =	shalt  }
0x75: {  	_ =	shalt  }
0x76: {  	_ =	shalt  }
0x77: {  	_ =	shalt  }
0x78: {  	_ =	shalt  }
0x79: {  	_ =	shalt  }
0x7a: {  	_ =	shalt  }
0x7b: {  	_ =	shalt  }
0x7c: {  	_ =	shalt  }
0x7d: {  	_ =	shalt  }
0x7e: {  	_ =	shalt  }
0x7f: {  	_ =	shalt  }
0x80: {  	_ =	shalt  }
0x81: {  	_ =	shalt  }
0x82: {  	_ =	shalt  }
0x83: {  	_ =	shalt  }
0x84: {  	_ =	shalt  }
0x85: {  	_ =	shalt  }
0x86: {  	_ =	shalt  }
0x87: {  	_ =	shalt  }
.Lfunc_end0:
.L_simem_size_0:
called_computation_lowered:
.L_overlay_start_0:
0x88: {  	s2 =	sld [smem:$0x3FD9]  }
0x89: {  	s3 =	sld [smem:$0x3FFE];
	_ =	sdelay $0x1  }
0x8a: {  	s1 =	srdreg.scid  }
0x8b: {  	s0 =	sand.u32 $0x1, s1  }
0x8c: {  	s14 =	sshll.u32 s0, $0xA;
	s2 =	sadd.s32 s3, s2  }
0x8d: {  	s2 =	sadd.s32 s2, s14  }
0x8e: {  	[smem:$0x3FC6] =	sst s2  }
0x8f: {  	_ = 	snop  }
0x90: {  	s2 =	sld [smem:$0x3FD0];
	_ =	sdelay $0x2  }
0x91: {  	s15 =	simm.s32 $0xA;
	s4 =	simm.s32 $0x10  }
0x92: {  	[smem:s4], [sflag:s15] =	dma.local [hbm:s2], $0x1  }
0x93: {  	_ =	swait.eq [sflag:s15], $0x1  }
0x94: {  	[sflag:s15] =	ssyncset.done $0x0  }
0x95: {  	[sflag:s15] =	ssyncadd.s32 $0xFFFFFFFF  }
0x96: {  	s16 =	sld [smem:$0x11];
	(tm) =	ssettm $0x1  }
0x97: {  	s17 =	sld [smem:$0x3FFB];
	_ =	sdelay $0x3  }
0x98: {  	_ =	strace s17  }
0x99: {  	s3 =	sld [smem:$0x3FFC];
	_ =	sdelay $0x3  }
0x9a: {  	_ =	strace s3  }
0x9b: {  	s3 =	sld [smem:$0x3FFD];
	_ =	sdelay $0x3  }
0x9c: {  	_ =	strace s3  }
0x9d: {  	_ =	strace $0x8FFFFFFF  }
0x9e: {  	s18 =	sld [smem:$0x3FDB];
	_ =	sdelay $0x1  }
0x9f: {  	s19 =	simm.s32 $_scs_section_size  }
0xa0: {  	s5 =	simm.s32 $_size__tile_overlayer_lowered;
	s6 =	simm.s32 $_tile_overlayer_lowered  }
0xa1: {  	s22 =	simm.s32 $0x1BFF;
	s21 =	sshll.u32 s6, $0x1;
	s3 =	sadd.s32 s19, s18  }
0xa2: {  	s7 =	simm.s32 $0x0;
	s20 =	sshll.u32 s5, $0x1;
	s5 =	sadd.s32 s21, s3  }
0xa3: {  	[timem:s7], [sflag:s22] =	dma.local [hbm:s5], s20  }
0xa4: {  	_ =	swait.ge [sflag:s22], s20  }
0xa5: {  	s4 =	ssub.s32 $0x0, s20;
	[sflag:s22] =	ssyncset.done $0x0  }
0xa6: {  	[sflag:s22] =	ssyncadd.s32 s4;
	_ =	sdelay $0x1  }
0xa7: {  	s23 =	simm.s32 $0x1B8B  }
0xa8: {  	_ =	swait.ge [sflag:s23], $0x1  }
0xa9: {  	[sflag:s23] =	ssyncset.done $0x0  }
0xaa: {  	s25 =	simm.s32 $0x1B8E;
	s24 =	sld [smem:$0x3FFE];
	[sflag:s23] =	ssyncadd.s32 $0xFFFFFFFF  }
0xab: {  	s26 =	simm.s32 $execute0_lowered;
	[smem:$0x3FD2] =	sst s25  }
0xac: {  	s5 =	sshll.u32 s26, $0x1;
	_ =	strace $0x80000046;
	[dreg:$0x1] =	wrdreg $0xFFFFFFFF  }
0xad: {  	s28 =	simm.s32 $_size_execute0_lowered;
	s3 =	sadd.s32 s3, s5;
	[dreg:$0x0] =	wrdreg $0x0  }
0xae: {  	s5 =	sshll.u32 s28, $0x1;
	[dreg:$0x2] =	wrdreg s3  }
0xaf: {  	[dreg:$0x3] =	wrdreg s5  }
0xb0: {  	[dreg:$0x4] =	wrdreg $0xC0  }
0xb1: {  	_ =	task [dreg:s7], $0x5FFFF  }
0xb2: {  	[dreg:$0x1] =	wrdreg $0xFFFFFFFF  }
0xb3: {  	[dreg:$0x0] =	wrdreg $0x60  }
0xb4: {  	[dreg:$0x2] =	wrdreg s24  }
0xb5: {  	[dreg:$0x3] =	wrdreg s16  }
0xb6: {  	[dreg:$0x4] =	wrdreg $0x9  }
0xb7: {  	_ =	task.clear_ibuf [dreg:s7], $0x5FFFF;
	_ =	strace $0x90000046  }
0xb8: {  	s29 =	simm.s32 $0x9;
	_ =	strace $0x80000048  }
0xb9: {  	_ =	swait.ge [sflag:s29], $0x1  }
0xba: {  	[sflag:s29] =	ssyncadd.s32 $0xFFFFFFFF  }
0xbb: {  	_ =	strace $0x90000048  }
0xbc: {  	_ =	sfence  }
0xbd: {  	s30 =	sld [smem:$0x0];
	_ =	sdelay $0x2  }
0xbe: {  	s31 =	sshll.u32 s1, $0xD;
	s1 =	sshrl.u32 s1, $0x2  }
0xbf: {  	s3 =	sand.u32 $0x4000, s31;
	s1 =	sadd.s32 s1, s30  }
0xc0: {  	s0 =	sor.u32 s3, s0;
	s1 =	sshll.u32 s1, $0x11  }
0xc1: {  	s0 =	sor.u32 s1, s0  }
0xc2: {  	s0 =	sadd.s32 $0x8F2B, s0  }
0xc3: {  	[sflag:s0] =	ssyncadd.remote.s32 $0x1  }
0xc4: {  	_ =	sfence.sel $0xFFFF  }
0xc5: {  	[dreg:$0x0] =	wrdreg $0xFFFFFFFF;
	(pc) =	sbr.abs _section_cstart, $3  }
0xc6: {  	[dreg:$0x1] =	wrdreg $0xFFFFFFFF  }
0xc7: {  	_ =	task.clear_ibuf [dreg:s7], $0x2FFFF;
	_ =	strace $0x9FFFFFFF  }
0xc8: {  	(tm) =	ssettm $0x7FFFFFFF  }
0xc9: {  	_ =	shalt  }
tec
execute0_lowered:
.L_overlay_start_1:
0x0: {  	(tag) =	ssettag $0x1  }
0x1: {  	s1 =	srdreg.scid  }
0x2: {  	s8 =	rddreg [dreg:$0x0];
	s0 =	stileid.u32;
	s22 =	sand.u32 $0x1, s1  }
0x3: {  	s21 =	rddreg [dreg:$0x1];
	s3 =	sshll.u32 s0, $0xB;
	s4 =	sshll.u32 s22, $0xA  }
0x4: {  	s2 =	simm.s32 $0x0;
	s1 =	rddreg [dreg:$0x2];
	s24 =	sor.u32 s4, s3  }
0x5: {  	[smem:$0x7FF] =	sst s2;
	s3 =	sshrl.u32 s24, $0x3  }
0x6: {  	_ =	strace $0x80000047;
	s4 =	sadd.s32 s21, s3;
	s3 =	simm.s32 $0x2  }
0x7: {  	[tilespmem:s2], [sflag:$0x2] =	stream.linear.gather [hbm4b:s4+s2], $0x80, $0x38;
	[tilespmem:$0x4080] =	vst v63  }
0x8: {  	_ =	swait.ge [sflag:s3], $0x80  }
0x9: {  	s6 =	simm.s32 $0x80;
	[sflag:s3] =	ssyncset.done $0x0  }
0xa: {  	s7 =	simm.s32 $0x1;
	s5 =	sadd.s32 $0x6F2600, s8;
	[sflag:s3] =	ssyncadd.s32 $0xFFFFFF80  }
0xb: {  	[tilespmem:s6], [sflag:$0x1] =	stream.indirect.gather [hbm4b:s5+s6], $0x80, s2, s6, $0xb8;
	[tilespmem:$0x4080] =	vst v63  }
0xc: {  	_ =	swait.ge [sflag:s7], $0x4000  }
0xd: {  	s23 =	sadd.s32 $0x4C00, s8;
	s28 =	sshll.u32 s24, $0x4;
	[sflag:s7] =	ssyncset.done $0x0  }
0xe: {  	s8 =	sadd.s32 s23, s28;
	[sflag:s7] =	ssyncadd.s32 $0xFFFFC000  }
0xf: {  	[hbm4b:s8+s2] =	stream.linear.scatter [tilespmem:s6], [sflag:$0x2], $0x4000, $0x38;
	[tilespmem:$0x4080] =	vst v63  }
0x10: {  	s10 =	sor.u32 $0x80, s24;
	_ =	swait.ge [sflag:s3], $0x4000  }
0x11: {  	s9 =	sshrl.u32 s10, $0x3;
	[sflag:s3] =	ssyncset.done $0x0  }
0x12: {  	s9 =	sadd.s32 s21, s9;
	[sflag:s3] =	ssyncadd.s32 $0xFFFFC000  }
0x13: {  	[tilespmem:s2], [sflag:$0x2] =	stream.linear.gather [hbm4b:s9+s2], $0x80, $0x38;
	[tilespmem:$0x4080] =	vst v63  }
0x14: {  	_ =	swait.ge [sflag:s3], $0x80  }
0x15: {  	[sflag:s3] =	ssyncset.done $0x0  }
0x16: {  	[sflag:s3] =	ssyncadd.s32 $0xFFFFFF80  }
0x17: {  	[tilespmem:s6], [sflag:$0x1] =	stream.indirect.gather [hbm4b:s5+s6], $0x80, s2, s6, $0xb8;
	[tilespmem:$0x4080] =	vst v63  }
0x18: {  	_ =	swait.ge [sflag:s7], $0x4000  }
0x19: {  	s10 =	sshll.u32 s10, $0x4;
	[sflag:s7] =	ssyncset.done $0x0  }
0x1a: {  	s10 =	sadd.s32 s23, s10;
	[sflag:s7] =	ssyncadd.s32 $0xFFFFC000  }
0x1b: {  	[hbm4b:s10+s2] =	stream.linear.scatter [tilespmem:s6], [sflag:$0x2], $0x4000, $0x38;
	[tilespmem:$0x4080] =	vst v63  }
0x1c: {  	s12 =	sor.u32 $0x100, s24;
	_ =	swait.ge [sflag:s3], $0x4000  }
0x1d: {  	s11 =	sshrl.u32 s12, $0x3;
	[sflag:s3] =	ssyncset.done $0x0  }
0x1e: {  	s11 =	sadd.s32 s21, s11;
	[sflag:s3] =	ssyncadd.s32 $0xFFFFC000  }
0x1f: {  	[tilespmem:s2], [sflag:$0x2] =	stream.linear.gather [hbm4b:s11+s2], $0x80, $0x38;
	[tilespmem:$0x4080] =	vst v63  }
0x20: {  	_ =	swait.ge [sflag:s3], $0x80  }
0x21: {  	[sflag:s3] =	ssyncset.done $0x0  }
0x22: {  	[sflag:s3] =	ssyncadd.s32 $0xFFFFFF80  }
0x23: {  	[tilespmem:s6], [sflag:$0x1] =	stream.indirect.gather [hbm4b:s5+s6], $0x80, s2, s6, $0xb8;
	[tilespmem:$0x4080] =	vst v63  }
0x24: {  	_ =	swait.ge [sflag:s7], $0x4000  }
0x25: {  	s12 =	sshll.u32 s12, $0x4;
	[sflag:s7] =	ssyncset.done $0x0  }
0x26: {  	s12 =	sadd.s32 s23, s12;
	[sflag:s7] =	ssyncadd.s32 $0xFFFFC000  }
0x27: {  	[hbm4b:s12+s2] =	stream.linear.scatter [tilespmem:s6], [sflag:$0x2], $0x4000, $0x38;
	[tilespmem:$0x4080] =	vst v63  }
0x28: {  	s14 =	sor.u32 $0x180, s24;
	_ =	swait.ge [sflag:s3], $0x4000  }
0x29: {  	s13 =	sshrl.u32 s14, $0x3;
	[sflag:s3] =	ssyncset.done $0x0  }
0x2a: {  	s13 =	sadd.s32 s21, s13;
	[sflag:s3] =	ssyncadd.s32 $0xFFFFC000  }
0x2b: {  	[tilespmem:s2], [sflag:$0x2] =	stream.linear.gather [hbm4b:s13+s2], $0x80, $0x38;
	[tilespmem:$0x4080] =	vst v63  }
0x2c: {  	_ =	swait.ge [sflag:s3], $0x80  }
0x2d: {  	[sflag:s3] =	ssyncset.done $0x0  }
0x2e: {  	[sflag:s3] =	ssyncadd.s32 $0xFFFFFF80  }
0x2f: {  	[tilespmem:s6], [sflag:$0x1] =	stream.indirect.gather [hbm4b:s5+s6], $0x80, s2, s6, $0xb8;
	[tilespmem:$0x4080] =	vst v63  }
0x30: {  	_ =	swait.ge [sflag:s7], $0x4000  }
0x31: {  	s14 =	sshll.u32 s14, $0x4;
	[sflag:s7] =	ssyncset.done $0x0  }
0x32: {  	s14 =	sadd.s32 s23, s14;
	[sflag:s7] =	ssyncadd.s32 $0xFFFFC000  }
0x33: {  	[hbm4b:s14+s2] =	stream.linear.scatter [tilespmem:s6], [sflag:$0x2], $0x4000, $0x38;
	[tilespmem:$0x4080] =	vst v63  }
0x34: {  	s16 =	sor.u32 $0x200, s24;
	_ =	swait.ge [sflag:s3], $0x4000  }
0x35: {  	s15 =	sshrl.u32 s16, $0x3;
	[sflag:s3] =	ssyncset.done $0x0  }
0x36: {  	s15 =	sadd.s32 s21, s15;
	[sflag:s3] =	ssyncadd.s32 $0xFFFFC000  }
0x37: {  	[tilespmem:s2], [sflag:$0x2] =	stream.linear.gather [hbm4b:s15+s2], $0x80, $0x38;
	[tilespmem:$0x4080] =	vst v63  }
0x38: {  	_ =	swait.ge [sflag:s3], $0x80  }
0x39: {  	[sflag:s3] =	ssyncset.done $0x0  }
0x3a: {  	[sflag:s3] =	ssyncadd.s32 $0xFFFFFF80  }
0x3b: {  	[tilespmem:s6], [sflag:$0x1] =	stream.indirect.gather [hbm4b:s5+s6], $0x80, s2, s6, $0xb8;
	[tilespmem:$0x4080] =	vst v63  }
0x3c: {  	_ =	swait.ge [sflag:s7], $0x4000  }
0x3d: {  	s16 =	sshll.u32 s16, $0x4;
	[sflag:s7] =	ssyncset.done $0x0  }
0x3e: {  	s16 =	sadd.s32 s23, s16;
	[sflag:s7] =	ssyncadd.s32 $0xFFFFC000  }
0x3f: {  	[hbm4b:s16+s2] =	stream.linear.scatter [tilespmem:s6], [sflag:$0x2], $0x4000, $0x38;
	[tilespmem:$0x4080] =	vst v63  }
0x40: {  	s18 =	sor.u32 $0x280, s24;
	_ =	swait.ge [sflag:s3], $0x4000  }
0x41: {  	s17 =	sshrl.u32 s18, $0x3;
	[sflag:s3] =	ssyncset.done $0x0  }
0x42: {  	s17 =	sadd.s32 s21, s17;
	[sflag:s3] =	ssyncadd.s32 $0xFFFFC000  }
0x43: {  	[tilespmem:s2], [sflag:$0x2] =	stream.linear.gather [hbm4b:s17+s2], $0x80, $0x38;
	[tilespmem:$0x4080] =	vst v63  }
0x44: {  	_ =	swait.ge [sflag:s3], $0x80  }
0x45: {  	[sflag:s3] =	ssyncset.done $0x0  }
0x46: {  	[sflag:s3] =	ssyncadd.s32 $0xFFFFFF80  }
0x47: {  	[tilespmem:s6], [sflag:$0x1] =	stream.indirect.gather [hbm4b:s5+s6], $0x80, s2, s6, $0xb8;
	[tilespmem:$0x4080] =	vst v63  }
0x48: {  	_ =	swait.ge [sflag:s7], $0x4000  }
0x49: {  	s18 =	sshll.u32 s18, $0x4;
	[sflag:s7] =	ssyncset.done $0x0  }
0x4a: {  	s18 =	sadd.s32 s23, s18;
	[sflag:s7] =	ssyncadd.s32 $0xFFFFC000  }
0x4b: {  	[hbm4b:s18+s2] =	stream.linear.scatter [tilespmem:s6], [sflag:$0x2], $0x4000, $0x38;
	[tilespmem:$0x4080] =	vst v63  }
0x4c: {  	s20 =	sor.u32 $0x300, s24;
	_ =	swait.ge [sflag:s3], $0x4000  }
0x4d: {  	s19 =	sshrl.u32 s20, $0x3;
	[sflag:s3] =	ssyncset.done $0x0  }
0x4e: {  	s19 =	sadd.s32 s21, s19;
	[sflag:s3] =	ssyncadd.s32 $0xFFFFC000  }
0x4f: {  	[tilespmem:s2], [sflag:$0x2] =	stream.linear.gather [hbm4b:s19+s2], $0x80, $0x38;
	[tilespmem:$0x4080] =	vst v63  }
0x50: {  	_ =	swait.ge [sflag:s3], $0x80  }
0x51: {  	[sflag:s3] =	ssyncset.done $0x0  }
0x52: {  	[sflag:s3] =	ssyncadd.s32 $0xFFFFFF80  }
0x53: {  	[tilespmem:s6], [sflag:$0x1] =	stream.indirect.gather [hbm4b:s5+s6], $0x80, s2, s6, $0xb8;
	[tilespmem:$0x4080] =	vst v63  }
0x54: {  	_ =	swait.ge [sflag:s7], $0x4000  }
0x55: {  	s20 =	sshll.u32 s20, $0x4;
	[sflag:s7] =	ssyncset.done $0x0  }
0x56: {  	s20 =	sadd.s32 s23, s20;
	[sflag:s7] =	ssyncadd.s32 $0xFFFFC000  }
0x57: {  	[hbm4b:s20+s2] =	stream.linear.scatter [tilespmem:s6], [sflag:$0x2], $0x4000, $0x38;
	[tilespmem:$0x4080] =	vst v63  }
0x58: {  	s24 =	sor.u32 $0x380, s24;
	_ =	swait.ge [sflag:s3], $0x4000  }
0x59: {  	s25 =	sshrl.u32 s24, $0x3;
	[sflag:s3] =	ssyncset.done $0x0  }
0x5a: {  	s22 =	ssub.s32 $0x2, s22;
	s21 =	sadd.s32 s21, s25;
	[sflag:s3] =	ssyncadd.s32 $0xFFFFC000  }
0x5b: {  	[tilespmem:s2], [sflag:$0x2] =	stream.linear.gather [hbm4b:s21+s2], $0x80, $0x38;
	[tilespmem:$0x4080] =	vst v63  }
0x5c: {  	s29 =	sshrl.u32 s22, $0x1;
	_ =	swait.ge [sflag:s3], $0x80  }
0x5d: {  	s25 =	ssub.s32 s22, s29;
	[sflag:s3] =	ssyncset.done $0x0  }
0x5e: {  	s31 =	smax.u32 s25, $0x1;
	[sflag:s3] =	ssyncadd.s32 $0xFFFFFF80  }
0x5f: {  	[tilespmem:s6], [sflag:$0x1] =	stream.indirect.gather [hbm4b:s5+s6], $0x80, s2, s6, $0xb8;
	[tilespmem:$0x4080] =	vst v63  }
0x60: {  	p0 =	sne.s32 s31, $0x1;
	_ =	swait.ge [sflag:s7], $0x4000  }
.Ltmp0:
0x61: {  	s30 =	sshll.u32 s24, $0x4;
	[sflag:s7] =	ssyncset.done $0x0;
	(pc) =	sbr.rel @!p0 .LBB2_2-.Ltmp0, $4  }
0x62: {  	s22 =	sadd.s32 s23, s30;
	[sflag:s7] =	ssyncadd.s32 $0xFFFFC000  }
0x63: {  	[hbm4b:s22+s2] =	stream.linear.scatter [tilespmem:s6], [sflag:$0x2], $0x4000, $0x38;
	[tilespmem:$0x4080] =	vst v63  }
0x64: {  	_ =	swait.ge [sflag:s3], $0x4000  }
0x65: {  	s23 =	sadd.s32 $0xFFFFFFFF, s31;
	[sflag:s3] =	ssyncset.done $0x0  }
.LBB2_1:
0x66: {  	p0 =	sne.s32 s23, $0x1;
	s23 =	sadd.s32 $0xFFFFFFFF, s23;
	[sflag:s3] =	ssyncadd.s32 $0xFFFFC000  }
0x67: {  	[tilespmem:s2], [sflag:$0x2] =	stream.linear.gather [hbm4b:s4+s2], $0x80, $0x38;
	[tilespmem:$0x4080] =	vst v63  }
0x68: {  	_ =	swait.ge [sflag:s3], $0x80  }
0x69: {  	[sflag:s3] =	ssyncset.done $0x0  }
0x6a: {  	[sflag:s3] =	ssyncadd.s32 $0xFFFFFF80  }
0x6b: {  	[tilespmem:s6], [sflag:$0x1] =	stream.indirect.gather [hbm4b:s5+s6], $0x80, s2, s6, $0xb8;
	[tilespmem:$0x4080] =	vst v63  }
0x6c: {  	_ =	swait.ge [sflag:s7], $0x4000  }
0x6d: {  	[sflag:s7] =	ssyncset.done $0x0  }
0x6e: {  	[sflag:s7] =	ssyncadd.s32 $0xFFFFC000  }
0x6f: {  	[hbm4b:s8+s2] =	stream.linear.scatter [tilespmem:s6], [sflag:$0x2], $0x4000, $0x38;
	[tilespmem:$0x4080] =	vst v63  }
0x70: {  	_ =	swait.ge [sflag:s3], $0x4000  }
0x71: {  	[sflag:s3] =	ssyncset.done $0x0  }
0x72: {  	[sflag:s3] =	ssyncadd.s32 $0xFFFFC000  }
0x73: {  	[tilespmem:s2], [sflag:$0x2] =	stream.linear.gather [hbm4b:s9+s2], $0x80, $0x38;
	[tilespmem:$0x4080] =	vst v63  }
0x74: {  	_ =	swait.ge [sflag:s3], $0x80  }
0x75: {  	[sflag:s3] =	ssyncset.done $0x0  }
0x76: {  	[sflag:s3] =	ssyncadd.s32 $0xFFFFFF80  }
0x77: {  	[tilespmem:s6], [sflag:$0x1] =	stream.indirect.gather [hbm4b:s5+s6], $0x80, s2, s6, $0xb8;
	[tilespmem:$0x4080] =	vst v63  }
0x78: {  	_ =	swait.ge [sflag:s7], $0x4000  }
0x79: {  	[sflag:s7] =	ssyncset.done $0x0  }
0x7a: {  	[sflag:s7] =	ssyncadd.s32 $0xFFFFC000  }
0x7b: {  	[hbm4b:s10+s2] =	stream.linear.scatter [tilespmem:s6], [sflag:$0x2], $0x4000, $0x38;
	[tilespmem:$0x4080] =	vst v63  }
0x7c: {  	_ =	swait.ge [sflag:s3], $0x4000  }
0x7d: {  	[sflag:s3] =	ssyncset.done $0x0  }
0x7e: {  	[sflag:s3] =	ssyncadd.s32 $0xFFFFC000  }
0x7f: {  	[tilespmem:s2], [sflag:$0x2] =	stream.linear.gather [hbm4b:s11+s2], $0x80, $0x38;
	[tilespmem:$0x4080] =	vst v63  }
0x80: {  	_ =	swait.ge [sflag:s3], $0x80  }
0x81: {  	[sflag:s3] =	ssyncset.done $0x0  }
0x82: {  	[sflag:s3] =	ssyncadd.s32 $0xFFFFFF80  }
0x83: {  	[tilespmem:s6], [sflag:$0x1] =	stream.indirect.gather [hbm4b:s5+s6], $0x80, s2, s6, $0xb8;
	[tilespmem:$0x4080] =	vst v63  }
0x84: {  	_ =	swait.ge [sflag:s7], $0x4000  }
0x85: {  	[sflag:s7] =	ssyncset.done $0x0  }
0x86: {  	[sflag:s7] =	ssyncadd.s32 $0xFFFFC000  }
0x87: {  	[hbm4b:s12+s2] =	stream.linear.scatter [tilespmem:s6], [sflag:$0x2], $0x4000, $0x38;
	[tilespmem:$0x4080] =	vst v63  }
0x88: {  	_ =	swait.ge [sflag:s3], $0x4000  }
0x89: {  	[sflag:s3] =	ssyncset.done $0x0  }
0x8a: {  	[sflag:s3] =	ssyncadd.s32 $0xFFFFC000  }
0x8b: {  	[tilespmem:s2], [sflag:$0x2] =	stream.linear.gather [hbm4b:s13+s2], $0x80, $0x38;
	[tilespmem:$0x4080] =	vst v63  }
0x8c: {  	_ =	swait.ge [sflag:s3], $0x80  }
0x8d: {  	[sflag:s3] =	ssyncset.done $0x0  }
0x8e: {  	[sflag:s3] =	ssyncadd.s32 $0xFFFFFF80  }
0x8f: {  	[tilespmem:s6], [sflag:$0x1] =	stream.indirect.gather [hbm4b:s5+s6], $0x80, s2, s6, $0xb8;
	[tilespmem:$0x4080] =	vst v63  }
0x90: {  	_ =	swait.ge [sflag:s7], $0x4000  }
0x91: {  	[sflag:s7] =	ssyncset.done $0x0  }
0x92: {  	[sflag:s7] =	ssyncadd.s32 $0xFFFFC000  }
0x93: {  	[hbm4b:s14+s2] =	stream.linear.scatter [tilespmem:s6], [sflag:$0x2], $0x4000, $0x38;
	[tilespmem:$0x4080] =	vst v63  }
0x94: {  	_ =	swait.ge [sflag:s3], $0x4000  }
0x95: {  	[sflag:s3] =	ssyncset.done $0x0  }
0x96: {  	[sflag:s3] =	ssyncadd.s32 $0xFFFFC000  }
0x97: {  	[tilespmem:s2], [sflag:$0x2] =	stream.linear.gather [hbm4b:s15+s2], $0x80, $0x38;
	[tilespmem:$0x4080] =	vst v63  }
0x98: {  	_ =	swait.ge [sflag:s3], $0x80  }
0x99: {  	[sflag:s3] =	ssyncset.done $0x0  }
0x9a: {  	[sflag:s3] =	ssyncadd.s32 $0xFFFFFF80  }
0x9b: {  	[tilespmem:s6], [sflag:$0x1] =	stream.indirect.gather [hbm4b:s5+s6], $0x80, s2, s6, $0xb8;
	[tilespmem:$0x4080] =	vst v63  }
0x9c: {  	_ =	swait.ge [sflag:s7], $0x4000  }
0x9d: {  	[sflag:s7] =	ssyncset.done $0x0  }
0x9e: {  	[sflag:s7] =	ssyncadd.s32 $0xFFFFC000  }
0x9f: {  	[hbm4b:s16+s2] =	stream.linear.scatter [tilespmem:s6], [sflag:$0x2], $0x4000, $0x38;
	[tilespmem:$0x4080] =	vst v63  }
0xa0: {  	_ =	swait.ge [sflag:s3], $0x4000  }
0xa1: {  	[sflag:s3] =	ssyncset.done $0x0  }
0xa2: {  	[sflag:s3] =	ssyncadd.s32 $0xFFFFC000  }
0xa3: {  	[tilespmem:s2], [sflag:$0x2] =	stream.linear.gather [hbm4b:s17+s2], $0x80, $0x38;
	[tilespmem:$0x4080] =	vst v63  }
0xa4: {  	_ =	swait.ge [sflag:s3], $0x80  }
0xa5: {  	[sflag:s3] =	ssyncset.done $0x0  }
0xa6: {  	[sflag:s3] =	ssyncadd.s32 $0xFFFFFF80  }
0xa7: {  	[tilespmem:s6], [sflag:$0x1] =	stream.indirect.gather [hbm4b:s5+s6], $0x80, s2, s6, $0xb8;
	[tilespmem:$0x4080] =	vst v63  }
0xa8: {  	_ =	swait.ge [sflag:s7], $0x4000  }
0xa9: {  	[sflag:s7] =	ssyncset.done $0x0  }
0xaa: {  	[sflag:s7] =	ssyncadd.s32 $0xFFFFC000  }
0xab: {  	[hbm4b:s18+s2] =	stream.linear.scatter [tilespmem:s6], [sflag:$0x2], $0x4000, $0x38;
	[tilespmem:$0x4080] =	vst v63  }
0xac: {  	_ =	swait.ge [sflag:s3], $0x4000  }
0xad: {  	[sflag:s3] =	ssyncset.done $0x0  }
0xae: {  	[sflag:s3] =	ssyncadd.s32 $0xFFFFC000  }
0xaf: {  	[tilespmem:s2], [sflag:$0x2] =	stream.linear.gather [hbm4b:s19+s2], $0x80, $0x38;
	[tilespmem:$0x4080] =	vst v63  }
0xb0: {  	_ =	swait.ge [sflag:s3], $0x80  }
0xb1: {  	[sflag:s3] =	ssyncset.done $0x0  }
0xb2: {  	[sflag:s3] =	ssyncadd.s32 $0xFFFFFF80  }
0xb3: {  	[tilespmem:s6], [sflag:$0x1] =	stream.indirect.gather [hbm4b:s5+s6], $0x80, s2, s6, $0xb8;
	[tilespmem:$0x4080] =	vst v63  }
0xb4: {  	_ =	swait.ge [sflag:s7], $0x4000  }
0xb5: {  	[sflag:s7] =	ssyncset.done $0x0  }
0xb6: {  	[sflag:s7] =	ssyncadd.s32 $0xFFFFC000  }
0xb7: {  	[hbm4b:s20+s2] =	stream.linear.scatter [tilespmem:s6], [sflag:$0x2], $0x4000, $0x38;
	[tilespmem:$0x4080] =	vst v63  }
0xb8: {  	_ =	swait.ge [sflag:s3], $0x4000  }
0xb9: {  	[sflag:s3] =	ssyncset.done $0x0  }
0xba: {  	[sflag:s3] =	ssyncadd.s32 $0xFFFFC000  }
0xbb: {  	[tilespmem:s2], [sflag:$0x2] =	stream.linear.gather [hbm4b:s21+s2], $0x80, $0x38;
	[tilespmem:$0x4080] =	vst v63  }
0xbc: {  	_ =	swait.ge [sflag:s3], $0x80  }
0xbd: {  	[sflag:s3] =	ssyncset.done $0x0  }
0xbe: {  	[sflag:s3] =	ssyncadd.s32 $0xFFFFFF80  }
0xbf: {  	[tilespmem:s6], [sflag:$0x1] =	stream.indirect.gather [hbm4b:s5+s6], $0x80, s2, s6, $0xb8;
	[tilespmem:$0x4080] =	vst v63  }
0xc0: {  	_ =	swait.ge [sflag:s7], $0x4000  }
.Ltmp1:
0xc1: {  	[sflag:s7] =	ssyncset.done $0x0;
	(pc) =	sbr.rel @p0 .LBB2_1-.Ltmp1, $4  }
0xc2: {  	[sflag:s7] =	ssyncadd.s32 $0xFFFFC000  }
0xc3: {  	[hbm4b:s22+s2] =	stream.linear.scatter [tilespmem:s6], [sflag:$0x2], $0x4000, $0x38;
	[tilespmem:$0x4080] =	vst v63  }
0xc4: {  	_ =	swait.ge [sflag:s3], $0x4000  }
0xc5: {  	[sflag:s3] =	ssyncset.done $0x0  }
.LBB2_2:
0xc6: {  	[sflag:s3] =	ssyncadd.s32 $0xFFFFC000  }
0xc7: {  	_ =	sfence.sel $0x180000  }
0xc8: {  	[bflag:$0x0] =	sbarrier.arrive $0xFFFF  }
0xc9: {  	p0 =	sne.s32 s0, $0x0;
	_ =	strace $0x90000047  }
0xca: {  	s0 =	sadd.s32 @!p0 $0x100000, s1;
	[bflag:$0x2] =	sbarrier.arrive $0xFFFF  }
0xcb: {  	[sflag:s0] =	ssyncadd.tile.s32 @!p0 $0x1;
	_ =	shalt  }
.Lfunc_end2:
_tile_overlayer_lowered:
.L_overlay_start_2:
0xcc: {  	(tag) =	ssettag $0x2  }
0xcd: {  	s0 =	rddreg [dreg:$0x0];
	s2 =	stileid.u32  }
0xce: {  	s1 =	rddreg [dreg:$0x1];
	p0 =	sne.s32 s2, $0x0  }
0xcf: {  	s3 =	rddreg [dreg:$0x2];
	[bflag:$0x3] =	sbarrier.arrive $0xFFFF;
	s2 =	simm.s32 @!p0 $0x1C02  }
0xd0: {  	[timem:s3], [sflag:s2] =	dma.local @!p0 [hbm:s0], s1  }
0xd1: {  	s0 =	simm.s32 @!p0 $0x2  }
0xd2: {  	_ =	swait.ge @!p0 [sflag:s0], s1  }
0xd3: {  	s1 =	ssub.s32 @!p0 $0x0, s1;
	[sflag:s0] =	ssyncset.done @!p0 $0x0  }
0xd4: {  	[sflag:s0] =	ssyncadd.s32 @!p0 s1  }
0xd5: {  	[bflag:$0x3] =	sbarrier.arrive $0xFFFF  }
0xd6: {  	_ =	shalt  }

</sc_bundles>
